<compile_context>
chip_gen: v7x
topology: tpu7x:2x2x1
jax: 0.10.2.dev20260603
libtpu: 0.0.44.dev20260713+nightly
codegen_flags: <defaults>
</compile_context>

<pallas_src>
import functools

import jax
import jax.numpy as jnp
from jax import lax
from jax.experimental import pallas as pl
from jax.experimental.pallas import tpu as pltpu
from jax.experimental.pallas import tpu_sc as plsc

B, L = 4096, 100
LP = 112
H = 64
NC, NS, LANES = 2, 16, 16
NW = NC * NS
BPW = B // NW
FT_ROWS = 101
GL = LP
NBUF = 4

BK = 65536
NBLK = 16
EPAD = NBLK * BK


def _edot_body(w_ref, x_ref, o_ref):
    r = lax.dot_general(w_ref[...], x_ref[...], (((1,), (0,)), ((), ())),
                        preferred_element_type=jnp.float32)
    o_ref[...] = r[0:1, :].reshape(1, 1, BK)


def _tc_edot(emb_t, wmat):
    return pl.pallas_call(
        _edot_body,
        grid=(NBLK,),
        in_specs=[
            pl.BlockSpec((8, H), lambda i: (0, 0)),
            pl.BlockSpec((H, BK), lambda i: (0, i)),
        ],
        out_specs=pl.BlockSpec((1, 1, BK), lambda i: (i, 0, 0)),
        out_shape=jax.ShapeDtypeStruct((NBLK, 1, BK), jnp.float32),
    )(wmat, emb_t)


def _sc_kernel(index_hbm, val_hbm, field_hbm, e_hbm, ft_hbm, wv_hbm,
               out_hbm, idx_v, val_v, field_v, e_sp, eb_0, eb_1, eb_2,
               eb_3, ft_v, wv_v, fdot_v, out_v, sem_0, sem_1, sem_2,
               sem_3):
    e_bufs = (eb_0, eb_1, eb_2, eb_3)
    sems = (sem_0, sem_1, sem_2, sem_3)
    sid = lax.axis_index("s")
    wid = sid * NC + lax.axis_index("c")
    base = wid * BPW

    @pl.when(sid == 0)
    def _():
        pltpu.sync_copy(e_hbm, e_sp)

    pltpu.sync_copy(index_hbm.at[pl.ds(base, BPW)], idx_v)
    pltpu.sync_copy(val_hbm.at[pl.ds(base, BPW)], val_v)
    pltpu.sync_copy(field_hbm.at[pl.ds(base, BPW)], field_v)
    pltpu.sync_copy(ft_hbm, ft_v)
    pltpu.sync_copy(wv_hbm, wv_v)

    lanes = lax.iota(jnp.int32, LANES)
    zeros = jnp.zeros((LANES,), jnp.float32)

    for c7 in range(LP // LANES):
        row = jnp.minimum(c7 * LANES + lanes, FT_ROWS - 1)

        def fdot_body(j, acc):
            g = plsc.load_gather(ft_v, [row * H + j])
            w2 = plsc.load_gather(wv_v, [jnp.full((LANES,), H + j, jnp.int32)])
            return acc + g * w2

        accf = lax.fori_loop(0, H, fdot_body, zeros)
        fdot_v[pl.ds(c7 * LANES, LANES)] = accf

    bias_sp = plsc.load_gather(wv_v, [jnp.full((LANES,), 2 * H, jnp.int32)])
    bias_lane0 = jnp.where(lanes == 0, bias_sp, 0.0)

    plsc.subcore_barrier()

    def gather_e(b, eb, sem_):
        pltpu.async_copy(e_sp.at[idx_v.at[b]], eb, sem_)

    def wait_e(eb, sem_):
        pltpu.make_async_copy(e_sp.at[idx_v.at[0]], eb, sem_).wait()

    def compute_row(b, eb):
        facc = bias_lane0
        eacc = zeros
        for c in range(LP // LANES):
            v = val_v[b, pl.ds(c * LANES, LANES)]
            fidx = field_v[b, pl.ds(c * LANES, LANES)]
            facc = facc + v * plsc.load_gather(fdot_v, [fidx])
            eacc = eacc + v * eb[pl.ds(c * LANES, LANES)]

        s = jnp.sum(facc + eacc, axis=0)
        plsc.store_scatter(out_v, [jnp.full((LANES,), b, jnp.int32)],
                           jnp.full((LANES,), s, jnp.float32),
                           mask=lanes == 0)

    for k in range(NBUF):
        gather_e(k, e_bufs[k], sems[k])

    def b_body(i, _):
        b0 = NBUF * i
        for k in range(NBUF):
            wait_e(e_bufs[k], sems[k])
            compute_row(b0 + k, e_bufs[k])

            @pl.when(b0 + k + NBUF < BPW)
            def _():
                gather_e(b0 + k + NBUF, e_bufs[k], sems[k])

        return 0

    lax.fori_loop(0, BPW // NBUF, b_body, 0)
    pltpu.sync_copy(out_v, out_hbm.at[pl.ds(base, BPW)])


@jax.jit
def _run(index_p, value_p, field_p, e_flat, ft_flat, wv):
    mesh = plsc.VectorSubcoreMesh(core_axis_name="c", subcore_axis_name="s")
    k = functools.partial(
        pl.kernel,
        out_type=jax.ShapeDtypeStruct((B,), jnp.float32),
        mesh=mesh,
        compiler_params=pltpu.CompilerParams(needs_layout_passes=False,
                                             use_tc_tiling_on_sc=False),
        scratch_types=[
            pltpu.VMEM((BPW, LP), jnp.int32),
            pltpu.VMEM((BPW, LP), jnp.float32),
            pltpu.VMEM((BPW, LP), jnp.int32),
            pltpu.VMEM_SHARED((EPAD,), jnp.float32),
            pltpu.VMEM((LP,), jnp.float32),
            pltpu.VMEM((LP,), jnp.float32),
            pltpu.VMEM((LP,), jnp.float32),
            pltpu.VMEM((LP,), jnp.float32),
            pltpu.VMEM((FT_ROWS * H,), jnp.float32),
            pltpu.VMEM((144,), jnp.float32),
            pltpu.VMEM((LP,), jnp.float32),
            pltpu.VMEM((BPW,), jnp.float32),
            pltpu.SemaphoreType.DMA,
            pltpu.SemaphoreType.DMA,
            pltpu.SemaphoreType.DMA,
            pltpu.SemaphoreType.DMA,
        ],
    )(_sc_kernel)
    return k(index_p, value_p, field_p, e_flat, ft_flat, wv)


def kernel(index, value, field, emb_table, field_table, W, b):
    wmat = jnp.zeros((8, H), jnp.float32).at[0].set(W[:H, 0])
    e_flat = _tc_edot(emb_table.T, wmat).reshape(-1)

    pad = ((0, 0), (0, LP - L))
    spread = (jnp.arange(B * (LP - L), dtype=jnp.int32)
              % emb_table.shape[0]).reshape(B, LP - L)
    index_p = jnp.concatenate([index.astype(jnp.int32), spread], axis=1)
    value_p = jnp.pad(value, pad)
    field_p = jnp.pad(field.astype(jnp.int32), pad)
    ft_flat = field_table.reshape(-1)
    wv = jnp.concatenate([W[:, 0], b, jnp.zeros((15,), jnp.float32)])
    return _run(index_p, value_p, field_p, e_flat, ft_flat, wv)

# --- scband reference (transcript-rebuilt; emitter-appended) ---
"""Pipeline reference for scband-deep-25237227831980 (READ-ONLY COPY).

The authoritative reference and input builder live on the scoring server;
editing this copy changes nothing except your own understanding.
"""

import jax, jax.numpy as jnp
import numpy as np

FEATURE_DICT_SIZE = 1000000
FIELD_DICT_SIZE = 100
HIDDEN = 64
EMB_DIM = 2 * HIDDEN  # feature emb concat field emb
B, L = 4096, 100


def setup_inputs(seed: int = 0) -> dict:
    key = jax.random.key(seed)
    k1, k2, k3, k4, k5, k6 = jax.random.split(key, 6)
    index = jax.random.randint(k1, (B, L), 0, FEATURE_DICT_SIZE + 1, dtype=jnp.int64 if jax.config.jax_enable_x64 else jnp.int32)
    value = jax.random.uniform(k2, (B, L), dtype=jnp.float32)
    field = jax.random.randint(k3, (B, L), 0, FIELD_DICT_SIZE + 1, dtype=jnp.int64 if jax.config.jax_enable_x64 else jnp.int32)
    emb_table = jax.random.normal(k4, (FEATURE_DICT_SIZE + 1, HIDDEN), dtype=jnp.float32) * 0.01
    field_table = jax.random.normal(k5, (FIELD_DICT_SIZE + 1, HIDDEN), dtype=jnp.float32) * 0.01
    kW, kb = jax.random.split(k6)
    W = jax.random.normal(kW, (EMB_DIM, 1), dtype=jnp.float32) * (1.0 / np.sqrt(EMB_DIM))
    b = jnp.zeros((1,), dtype=jnp.float32)
    return {"index": index, "value": value, "field": field,
            "emb_table": emb_table, "field_table": field_table, "W": W, "b": b}


def reference(index, value, field, emb_table, field_table, W, b):
    # x = self.emb(ids)
    x = jnp.take(emb_table, index, axis=0)            # [B, L, H]
    # field_emb concat (FLAGS.field_emb = True)
    fx = jnp.take(field_table, field, axis=0)         # [B, L, H]
    x = jnp.concatenate([x, fx], axis=-1)             # [B, L, 2H]
    # deep_addval: multiply by expanded values
    x = x * value[..., None]                          # [B, L, 2H]
    # pooling == 'allsum': sum over sequence axis
    x = jnp.sum(x, axis=1)                            # [B, 2H]
    # final dense to 1, no activation
    x = x @ W + b                                     # [B, 1]
    return jnp.squeeze(x, -1)                         # [B]

if __name__ == "__main__":
    import jax
    _d = setup_inputs()
    print(jax.jit(kernel)(*tuple(_d.values())))

</pallas_src>

<mosaic_0001>
#map = affine_map<(d0, d1) -> (0, 0)>
#map1 = affine_map<(d0, d1) -> (0)>
module attributes {stable_mosaic.version = 14 : i64} {
  func.func @_sc_kernel(%arg0: i32, %arg1: i32, %arg2: memref<4096x112xi32, #tpu.memory_space<hbm>>, %arg3: memref<4096x112xf32, #tpu.memory_space<hbm>>, %arg4: memref<4096x112xi32, #tpu.memory_space<hbm>>, %arg5: memref<1048576xf32, #tpu.memory_space<hbm>>, %arg6: memref<6464xf32, #tpu.memory_space<hbm>>, %arg7: memref<144xf32, #tpu.memory_space<hbm>>, %arg8: memref<4096xf32, #tpu.memory_space<hbm>>, %arg9: memref<128x112xi32, #tpu.memory_space<vmem>>, %arg10: memref<128x112xf32, #tpu.memory_space<vmem>>, %arg11: memref<128x112xi32, #tpu.memory_space<vmem>>, %arg12: memref<1048576xf32, #tpu.memory_space<vmem_shared>>, %arg13: memref<112xf32, #tpu.memory_space<vmem>>, %arg14: memref<112xf32, #tpu.memory_space<vmem>>, %arg15: memref<112xf32, #tpu.memory_space<vmem>>, %arg16: memref<112xf32, #tpu.memory_space<vmem>>, %arg17: memref<6464xf32, #tpu.memory_space<vmem>>, %arg18: memref<144xf32, #tpu.memory_space<vmem>>, %arg19: memref<112xf32, #tpu.memory_space<vmem>>, %arg20: memref<128xf32, #tpu.memory_space<vmem>>, %arg21: memref<!tpu.dma_semaphore, #tpu.memory_space<semaphore_mem>>, %arg22: memref<!tpu.dma_semaphore, #tpu.memory_space<semaphore_mem>>, %arg23: memref<!tpu.dma_semaphore, #tpu.memory_space<semaphore_mem>>, %arg24: memref<!tpu.dma_semaphore, #tpu.memory_space<semaphore_mem>>) attributes {dimension_semantics = [#tpu.dimension_semantics<core_parallel>, #tpu.dimension_semantics<subcore_parallel>], iteration_bounds = array<i64: 2, 16>, scalar_prefetch = 0 : i64, scratch_operands = 16 : i64, tpu.core_type = #tpu.core_type<sc_vector_subcore>, window_params = [{transform_indices = #map}, {transform_indices = #map}, {transform_indices = #map}, {transform_indices = #map1}, {transform_indices = #map1}, {transform_indices = #map1}, {transform_indices = #map1}]} {
    %mul3A = arith.constant 2 : i32
    %mul3A_0 = arith.muli %arg1, %mul3A : i32
    %add3A = arith.addi %mul3A_0, %arg0 : i32
    %mul3A_1 = arith.constant 128 : i32
    %mul3A_2 = arith.muli %add3A, %mul3A_1 : i32
    %eq3A = arith.constant 0 : i32
    %eq3A_3 = arith.cmpi eq, %arg1, %eq3A : i32
    %convert_element_type3A = arith.extui %eq3A_3 : i1 to i32
    %cond3A = arith.constant 0 : i32
    %cond3A_4 = arith.cmpi ne, %convert_element_type3A, %cond3A : i32
    scf.if %cond3A_4 {
      "tpu.region"() ({
        %run_scoped3A = tpu.sem_alloc : memref<!tpu.dma_semaphore, #tpu.memory_space<semaphore_mem>>
        tpu.enqueue_dma source(%arg5 : memref<1048576xf32, #tpu.memory_space<hbm>>) target(%arg12 : memref<1048576xf32, #tpu.memory_space<vmem_shared>>) target_semaphore(%run_scoped3A : memref<!tpu.dma_semaphore, #tpu.memory_space<semaphore_mem>>)
        tpu.wait_dma2 semaphore(%run_scoped3A : memref<!tpu.dma_semaphore, #tpu.memory_space<semaphore_mem>>) src(%arg5 : memref<1048576xf32, #tpu.memory_space<hbm>>) dst(%arg12 : memref<1048576xf32, #tpu.memory_space<vmem_shared>>)
        tpu.yield
      }) : () -> ()
    } else {
    }
    "tpu.region"() ({
      %run_scoped3A = tpu.sem_alloc : memref<!tpu.dma_semaphore, #tpu.memory_space<semaphore_mem>>
      %dma_start3A_137 = arith.constant 0 : i32
      %dma_start3A_138 = tpu.memref_slice %arg2[%mul3A_2, %dma_start3A_137] : memref<4096x112xi32, #tpu.memory_space<hbm>> -> memref<128x112xi32, #tpu.memory_space<hbm>>
      %dma_start3A_139 = arith.constant 0 : i32
      %dma_start3A_140 = tpu.memref_slice %arg2[%mul3A_2, %dma_start3A_139] : memref<4096x112xi32, #tpu.memory_space<hbm>> -> memref<128x112xi32, #tpu.memory_space<hbm>>
      tpu.enqueue_dma source(%dma_start3A_140 : memref<128x112xi32, #tpu.memory_space<hbm>>) target(%arg9 : memref<128x112xi32, #tpu.memory_space<vmem>>) target_semaphore(%run_scoped3A : memref<!tpu.dma_semaphore, #tpu.memory_space<semaphore_mem>>)
      %dma_wait3A = arith.constant 0 : i32
      %dma_wait3A_141 = tpu.memref_slice %arg2[%mul3A_2, %dma_wait3A] : memref<4096x112xi32, #tpu.memory_space<hbm>> -> memref<128x112xi32, #tpu.memory_space<hbm>>
      %dma_wait3A_142 = arith.constant 0 : i32
      %dma_wait3A_143 = tpu.memref_slice %arg2[%mul3A_2, %dma_wait3A_142] : memref<4096x112xi32, #tpu.memory_space<hbm>> -> memref<128x112xi32, #tpu.memory_space<hbm>>
      tpu.wait_dma2 semaphore(%run_scoped3A : memref<!tpu.dma_semaphore, #tpu.memory_space<semaphore_mem>>) src(%dma_wait3A_143 : memref<128x112xi32, #tpu.memory_space<hbm>>) dst(%arg9 : memref<128x112xi32, #tpu.memory_space<vmem>>)
      tpu.yield
    }) : () -> ()
    "tpu.region"() ({
      %run_scoped3A = tpu.sem_alloc : memref<!tpu.dma_semaphore, #tpu.memory_space<semaphore_mem>>
      %dma_start3A_137 = arith.constant 0 : i32
      %dma_start3A_138 = tpu.memref_slice %arg3[%mul3A_2, %dma_start3A_137] : memref<4096x112xf32, #tpu.memory_space<hbm>> -> memref<128x112xf32, #tpu.memory_space<hbm>>
      %dma_start3A_139 = arith.constant 0 : i32
      %dma_start3A_140 = tpu.memref_slice %arg3[%mul3A_2, %dma_start3A_139] : memref<4096x112xf32, #tpu.memory_space<hbm>> -> memref<128x112xf32, #tpu.memory_space<hbm>>
      tpu.enqueue_dma source(%dma_start3A_140 : memref<128x112xf32, #tpu.memory_space<hbm>>) target(%arg10 : memref<128x112xf32, #tpu.memory_space<vmem>>) target_semaphore(%run_scoped3A : memref<!tpu.dma_semaphore, #tpu.memory_space<semaphore_mem>>)
      %dma_wait3A = arith.constant 0 : i32
      %dma_wait3A_141 = tpu.memref_slice %arg3[%mul3A_2, %dma_wait3A] : memref<4096x112xf32, #tpu.memory_space<hbm>> -> memref<128x112xf32, #tpu.memory_space<hbm>>
      %dma_wait3A_142 = arith.constant 0 : i32
      %dma_wait3A_143 = tpu.memref_slice %arg3[%mul3A_2, %dma_wait3A_142] : memref<4096x112xf32, #tpu.memory_space<hbm>> -> memref<128x112xf32, #tpu.memory_space<hbm>>
      tpu.wait_dma2 semaphore(%run_scoped3A : memref<!tpu.dma_semaphore, #tpu.memory_space<semaphore_mem>>) src(%dma_wait3A_143 : memref<128x112xf32, #tpu.memory_space<hbm>>) dst(%arg10 : memref<128x112xf32, #tpu.memory_space<vmem>>)
      tpu.yield
    }) : () -> ()
    "tpu.region"() ({
      %run_scoped3A = tpu.sem_alloc : memref<!tpu.dma_semaphore, #tpu.memory_space<semaphore_mem>>
      %dma_start3A_137 = arith.constant 0 : i32
      %dma_start3A_138 = tpu.memref_slice %arg4[%mul3A_2, %dma_start3A_137] : memref<4096x112xi32, #tpu.memory_space<hbm>> -> memref<128x112xi32, #tpu.memory_space<hbm>>
      %dma_start3A_139 = arith.constant 0 : i32
      %dma_start3A_140 = tpu.memref_slice %arg4[%mul3A_2, %dma_start3A_139] : memref<4096x112xi32, #tpu.memory_space<hbm>> -> memref<128x112xi32, #tpu.memory_space<hbm>>
      tpu.enqueue_dma source(%dma_start3A_140 : memref<128x112xi32, #tpu.memory_space<hbm>>) target(%arg11 : memref<128x112xi32, #tpu.memory_space<vmem>>) target_semaphore(%run_scoped3A : memref<!tpu.dma_semaphore, #tpu.memory_space<semaphore_mem>>)
      %dma_wait3A = arith.constant 0 : i32
      %dma_wait3A_141 = tpu.memref_slice %arg4[%mul3A_2, %dma_wait3A] : memref<4096x112xi32, #tpu.memory_space<hbm>> -> memref<128x112xi32, #tpu.memory_space<hbm>>
      %dma_wait3A_142 = arith.constant 0 : i32
      %dma_wait3A_143 = tpu.memref_slice %arg4[%mul3A_2, %dma_wait3A_142] : memref<4096x112xi32, #tpu.memory_space<hbm>> -> memref<128x112xi32, #tpu.memory_space<hbm>>
      tpu.wait_dma2 semaphore(%run_scoped3A : memref<!tpu.dma_semaphore, #tpu.memory_space<semaphore_mem>>) src(%dma_wait3A_143 : memref<128x112xi32, #tpu.memory_space<hbm>>) dst(%arg11 : memref<128x112xi32, #tpu.memory_space<vmem>>)
      tpu.yield
    }) : () -> ()
    "tpu.region"() ({
      %run_scoped3A = tpu.sem_alloc : memref<!tpu.dma_semaphore, #tpu.memory_space<semaphore_mem>>
      tpu.enqueue_dma source(%arg6 : memref<6464xf32, #tpu.memory_space<hbm>>) target(%arg17 : memref<6464xf32, #tpu.memory_space<vmem>>) target_semaphore(%run_scoped3A : memref<!tpu.dma_semaphore, #tpu.memory_space<semaphore_mem>>)
      tpu.wait_dma2 semaphore(%run_scoped3A : memref<!tpu.dma_semaphore, #tpu.memory_space<semaphore_mem>>) src(%arg6 : memref<6464xf32, #tpu.memory_space<hbm>>) dst(%arg17 : memref<6464xf32, #tpu.memory_space<vmem>>)
      tpu.yield
    }) : () -> ()
    "tpu.region"() ({
      %run_scoped3A = tpu.sem_alloc : memref<!tpu.dma_semaphore, #tpu.memory_space<semaphore_mem>>
      tpu.enqueue_dma source(%arg7 : memref<144xf32, #tpu.memory_space<hbm>>) target(%arg18 : memref<144xf32, #tpu.memory_space<vmem>>) target_semaphore(%run_scoped3A : memref<!tpu.dma_semaphore, #tpu.memory_space<semaphore_mem>>)
      tpu.wait_dma2 semaphore(%run_scoped3A : memref<!tpu.dma_semaphore, #tpu.memory_space<semaphore_mem>>) src(%arg7 : memref<144xf32, #tpu.memory_space<hbm>>) dst(%arg18 : memref<144xf32, #tpu.memory_space<vmem>>)
      tpu.yield
    }) : () -> ()
    %iota3A = tpu.iota {dimensions = array<i32: 0>} : vector<16xi32>
    %broadcast_in_dim3A = arith.constant 0.000000e+00 : f32
    %broadcast_in_dim3A_5 = vector.broadcast %broadcast_in_dim3A : f32 to vector<16xf32>
    %add3A_6 = arith.constant 0 : i32
    %add3A_7 = vector.broadcast %add3A_6 : i32 to vector<16xi32>
    %add3A_8 = arith.addi %add3A_7, %iota3A : vector<16xi32>
    %min3A = arith.constant 100 : i32
    %min3A_9 = vector.broadcast %min3A : i32 to vector<16xi32>
    %min3A_10 = arith.minsi %add3A_8, %min3A_9 : vector<16xi32>
    %scan3A = arith.constant 0 : i32
    %scan3A_11 = arith.constant 64 : i32
    %scan3A_12 = arith.addi %scan3A, %scan3A_11 : i32
    %scan3A_13 = arith.constant 1 : i32
    %scan3A_14 = scf.for %scan3A_137 = %scan3A to %scan3A_12 step %scan3A_13 iter_args(%scan3A_138 = %broadcast_in_dim3A_5) -> (vector<16xf32>)  : i32 {
      %mul3A_139 = arith.constant 64 : i32
      %mul3A_140 = vector.broadcast %mul3A_139 : i32 to vector<16xi32>
      %mul3A_141 = arith.muli %min3A_10, %mul3A_140 : vector<16xi32>
      %add3A_142 = vector.broadcast %scan3A_137 : i32 to vector<16xi32>
      %add3A_143 = arith.addi %mul3A_141, %add3A_142 : vector<16xi32>
      %gather3A_144 = tpu.vector_load_idx %arg17[%add3A_143] : memref<6464xf32, #tpu.memory_space<vmem>>[vector<16xi32>], vector<16xf32>,
      %add3A_145 = arith.constant 64 : i32
      %add3A_146 = arith.addi %add3A_145, %scan3A_137 : i32
      %broadcast_in_dim3A_147 = vector.broadcast %add3A_146 : i32 to vector<16xi32>
      %gather3A_148 = tpu.vector_load_idx %arg18[%broadcast_in_dim3A_147] : memref<144xf32, #tpu.memory_space<vmem>>[vector<16xi32>], vector<16xf32>,
      %mul3A_149 = arith.mulf %gather3A_144, %gather3A_148 : vector<16xf32>
      %add3A_150 = arith.addf %scan3A_138, %mul3A_149 : vector<16xf32>
      scf.yield %add3A_150 : vector<16xf32>
    }
    %scan3A_15 = arith.constant 64 : i32
    %swap3A = arith.constant 0 : index
    %swap3A_16 = tpu.vector_load %arg19[%swap3A] {strides = array<i32>} : memref<112xf32, #tpu.memory_space<vmem>>, vector<16xf32>,
    tpu.vector_store %arg19[%swap3A], %scan3A_14 {strides = array<i32>} : memref<112xf32, #tpu.memory_space<vmem>>, vector<16xf32>,
    %add3A_17 = arith.constant 16 : i32
    %add3A_18 = vector.broadcast %add3A_17 : i32 to vector<16xi32>
    %add3A_19 = arith.addi %add3A_18, %iota3A : vector<16xi32>
    %min3A_20 = arith.constant 100 : i32
    %min3A_21 = vector.broadcast %min3A_20 : i32 to vector<16xi32>
    %min3A_22 = arith.minsi %add3A_19, %min3A_21 : vector<16xi32>
    %scan3A_23 = arith.constant 0 : i32
    %scan3A_24 = arith.constant 64 : i32
    %scan3A_25 = arith.addi %scan3A_23, %scan3A_24 : i32
    %scan3A_26 = arith.constant 1 : i32
    %scan3A_27 = scf.for %scan3A_137 = %scan3A_23 to %scan3A_25 step %scan3A_26 iter_args(%scan3A_138 = %broadcast_in_dim3A_5) -> (vector<16xf32>)  : i32 {
      %mul3A_139 = arith.constant 64 : i32
      %mul3A_140 = vector.broadcast %mul3A_139 : i32 to vector<16xi32>
      %mul3A_141 = arith.muli %min3A_22, %mul3A_140 : vector<16xi32>
      %add3A_142 = vector.broadcast %scan3A_137 : i32 to vector<16xi32>
      %add3A_143 = arith.addi %mul3A_141, %add3A_142 : vector<16xi32>
      %gather3A_144 = tpu.vector_load_idx %arg17[%add3A_143] : memref<6464xf32, #tpu.memory_space<vmem>>[vector<16xi32>], vector<16xf32>,
      %add3A_145 = arith.constant 64 : i32
      %add3A_146 = arith.addi %add3A_145, %scan3A_137 : i32
      %broadcast_in_dim3A_147 = vector.broadcast %add3A_146 : i32 to vector<16xi32>
      %gather3A_148 = tpu.vector_load_idx %arg18[%broadcast_in_dim3A_147] : memref<144xf32, #tpu.memory_space<vmem>>[vector<16xi32>], vector<16xf32>,
      %mul3A_149 = arith.mulf %gather3A_144, %gather3A_148 : vector<16xf32>
      %add3A_150 = arith.addf %scan3A_138, %mul3A_149 : vector<16xf32>
      scf.yield %add3A_150 : vector<16xf32>
    }
    %scan3A_28 = arith.constant 64 : i32
    %swap3A_29 = arith.constant 16 : index
    %swap3A_30 = tpu.vector_load %arg19[%swap3A_29] {strides = array<i32>} : memref<112xf32, #tpu.memory_space<vmem>>, vector<16xf32>,
    tpu.vector_store %arg19[%swap3A_29], %scan3A_27 {strides = array<i32>} : memref<112xf32, #tpu.memory_space<vmem>>, vector<16xf32>,
    %add3A_31 = arith.constant 32 : i32
    %add3A_32 = vector.broadcast %add3A_31 : i32 to vector<16xi32>
    %add3A_33 = arith.addi %add3A_32, %iota3A : vector<16xi32>
    %min3A_34 = arith.constant 100 : i32
    %min3A_35 = vector.broadcast %min3A_34 : i32 to vector<16xi32>
    %min3A_36 = arith.minsi %add3A_33, %min3A_35 : vector<16xi32>
    %scan3A_37 = arith.constant 0 : i32
    %scan3A_38 = arith.constant 64 : i32
    %scan3A_39 = arith.addi %scan3A_37, %scan3A_38 : i32
    %scan3A_40 = arith.constant 1 : i32
    %scan3A_41 = scf.for %scan3A_137 = %scan3A_37 to %scan3A_39 step %scan3A_40 iter_args(%scan3A_138 = %broadcast_in_dim3A_5) -> (vector<16xf32>)  : i32 {
      %mul3A_139 = arith.constant 64 : i32
      %mul3A_140 = vector.broadcast %mul3A_139 : i32 to vector<16xi32>
      %mul3A_141 = arith.muli %min3A_36, %mul3A_140 : vector<16xi32>
      %add3A_142 = vector.broadcast %scan3A_137 : i32 to vector<16xi32>
      %add3A_143 = arith.addi %mul3A_141, %add3A_142 : vector<16xi32>
      %gather3A_144 = tpu.vector_load_idx %arg17[%add3A_143] : memref<6464xf32, #tpu.memory_space<vmem>>[vector<16xi32>], vector<16xf32>,
      %add3A_145 = arith.constant 64 : i32
      %add3A_146 = arith.addi %add3A_145, %scan3A_137 : i32
      %broadcast_in_dim3A_147 = vector.broadcast %add3A_146 : i32 to vector<16xi32>
      %gather3A_148 = tpu.vector_load_idx %arg18[%broadcast_in_dim3A_147] : memref<144xf32, #tpu.memory_space<vmem>>[vector<16xi32>], vector<16xf32>,
      %mul3A_149 = arith.mulf %gather3A_144, %gather3A_148 : vector<16xf32>
      %add3A_150 = arith.addf %scan3A_138, %mul3A_149 : vector<16xf32>
      scf.yield %add3A_150 : vector<16xf32>
    }
    %scan3A_42 = arith.constant 64 : i32
    %swap3A_43 = arith.constant 32 : index
    %swap3A_44 = tpu.vector_load %arg19[%swap3A_43] {strides = array<i32>} : memref<112xf32, #tpu.memory_space<vmem>>, vector<16xf32>,
    tpu.vector_store %arg19[%swap3A_43], %scan3A_41 {strides = array<i32>} : memref<112xf32, #tpu.memory_space<vmem>>, vector<16xf32>,
    %add3A_45 = arith.constant 48 : i32
    %add3A_46 = vector.broadcast %add3A_45 : i32 to vector<16xi32>
    %add3A_47 = arith.addi %add3A_46, %iota3A : vector<16xi32>
    %min3A_48 = arith.constant 100 : i32
    %min3A_49 = vector.broadcast %min3A_48 : i32 to vector<16xi32>
    %min3A_50 = arith.minsi %add3A_47, %min3A_49 : vector<16xi32>
    %scan3A_51 = arith.constant 0 : i32
    %scan3A_52 = arith.constant 64 : i32
    %scan3A_53 = arith.addi %scan3A_51, %scan3A_52 : i32
    %scan3A_54 = arith.constant 1 : i32
    %scan3A_55 = scf.for %scan3A_137 = %scan3A_51 to %scan3A_53 step %scan3A_54 iter_args(%scan3A_138 = %broadcast_in_dim3A_5) -> (vector<16xf32>)  : i32 {
      %mul3A_139 = arith.constant 64 : i32
      %mul3A_140 = vector.broadcast %mul3A_139 : i32 to vector<16xi32>
      %mul3A_141 = arith.muli %min3A_50, %mul3A_140 : vector<16xi32>
      %add3A_142 = vector.broadcast %scan3A_137 : i32 to vector<16xi32>
      %add3A_143 = arith.addi %mul3A_141, %add3A_142 : vector<16xi32>
      %gather3A_144 = tpu.vector_load_idx %arg17[%add3A_143] : memref<6464xf32, #tpu.memory_space<vmem>>[vector<16xi32>], vector<16xf32>,
      %add3A_145 = arith.constant 64 : i32
      %add3A_146 = arith.addi %add3A_145, %scan3A_137 : i32
      %broadcast_in_dim3A_147 = vector.broadcast %add3A_146 : i32 to vector<16xi32>
      %gather3A_148 = tpu.vector_load_idx %arg18[%broadcast_in_dim3A_147] : memref<144xf32, #tpu.memory_space<vmem>>[vector<16xi32>], vector<16xf32>,
      %mul3A_149 = arith.mulf %gather3A_144, %gather3A_148 : vector<16xf32>
      %add3A_150 = arith.addf %scan3A_138, %mul3A_149 : vector<16xf32>
      scf.yield %add3A_150 : vector<16xf32>
    }
    %scan3A_56 = arith.constant 64 : i32
    %swap3A_57 = arith.constant 48 : index
    %swap3A_58 = tpu.vector_load %arg19[%swap3A_57] {strides = array<i32>} : memref<112xf32, #tpu.memory_space<vmem>>, vector<16xf32>,
    tpu.vector_store %arg19[%swap3A_57], %scan3A_55 {strides = array<i32>} : memref<112xf32, #tpu.memory_space<vmem>>, vector<16xf32>,
    %add3A_59 = arith.constant 64 : i32
    %add3A_60 = vector.broadcast %add3A_59 : i32 to vector<16xi32>
    %add3A_61 = arith.addi %add3A_60, %iota3A : vector<16xi32>
    %min3A_62 = arith.constant 100 : i32
    %min3A_63 = vector.broadcast %min3A_62 : i32 to vector<16xi32>
    %min3A_64 = arith.minsi %add3A_61, %min3A_63 : vector<16xi32>
    %scan3A_65 = arith.constant 0 : i32
    %scan3A_66 = arith.constant 64 : i32
    %scan3A_67 = arith.addi %scan3A_65, %scan3A_66 : i32
    %scan3A_68 = arith.constant 1 : i32
    %scan3A_69 = scf.for %scan3A_137 = %scan3A_65 to %scan3A_67 step %scan3A_68 iter_args(%scan3A_138 = %broadcast_in_dim3A_5) -> (vector<16xf32>)  : i32 {
      %mul3A_139 = arith.constant 64 : i32
      %mul3A_140 = vector.broadcast %mul3A_139 : i32 to vector<16xi32>
      %mul3A_141 = arith.muli %min3A_64, %mul3A_140 : vector<16xi32>
      %add3A_142 = vector.broadcast %scan3A_137 : i32 to vector<16xi32>
      %add3A_143 = arith.addi %mul3A_141, %add3A_142 : vector<16xi32>
      %gather3A_144 = tpu.vector_load_idx %arg17[%add3A_143] : memref<6464xf32, #tpu.memory_space<vmem>>[vector<16xi32>], vector<16xf32>,
      %add3A_145 = arith.constant 64 : i32
      %add3A_146 = arith.addi %add3A_145, %scan3A_137 : i32
      %broadcast_in_dim3A_147 = vector.broadcast %add3A_146 : i32 to vector<16xi32>
      %gather3A_148 = tpu.vector_load_idx %arg18[%broadcast_in_dim3A_147] : memref<144xf32, #tpu.memory_space<vmem>>[vector<16xi32>], vector<16xf32>,
      %mul3A_149 = arith.mulf %gather3A_144, %gather3A_148 : vector<16xf32>
      %add3A_150 = arith.addf %scan3A_138, %mul3A_149 : vector<16xf32>
      scf.yield %add3A_150 : vector<16xf32>
    }
    %scan3A_70 = arith.constant 64 : i32
    %swap3A_71 = arith.constant 64 : index
    %swap3A_72 = tpu.vector_load %arg19[%swap3A_71] {strides = array<i32>} : memref<112xf32, #tpu.memory_space<vmem>>, vector<16xf32>,
    tpu.vector_store %arg19[%swap3A_71], %scan3A_69 {strides = array<i32>} : memref<112xf32, #tpu.memory_space<vmem>>, vector<16xf32>,
    %add3A_73 = arith.constant 80 : i32
    %add3A_74 = vector.broadcast %add3A_73 : i32 to vector<16xi32>
    %add3A_75 = arith.addi %add3A_74, %iota3A : vector<16xi32>
    %min3A_76 = arith.constant 100 : i32
    %min3A_77 = vector.broadcast %min3A_76 : i32 to vector<16xi32>
    %min3A_78 = arith.minsi %add3A_75, %min3A_77 : vector<16xi32>
    %scan3A_79 = arith.constant 0 : i32
    %scan3A_80 = arith.constant 64 : i32
    %scan3A_81 = arith.addi %scan3A_79, %scan3A_80 : i32
    %scan3A_82 = arith.constant 1 : i32
    %scan3A_83 = scf.for %scan3A_137 = %scan3A_79 to %scan3A_81 step %scan3A_82 iter_args(%scan3A_138 = %broadcast_in_dim3A_5) -> (vector<16xf32>)  : i32 {
      %mul3A_139 = arith.constant 64 : i32
      %mul3A_140 = vector.broadcast %mul3A_139 : i32 to vector<16xi32>
      %mul3A_141 = arith.muli %min3A_78, %mul3A_140 : vector<16xi32>
      %add3A_142 = vector.broadcast %scan3A_137 : i32 to vector<16xi32>
      %add3A_143 = arith.addi %mul3A_141, %add3A_142 : vector<16xi32>
      %gather3A_144 = tpu.vector_load_idx %arg17[%add3A_143] : memref<6464xf32, #tpu.memory_space<vmem>>[vector<16xi32>], vector<16xf32>,
      %add3A_145 = arith.constant 64 : i32
      %add3A_146 = arith.addi %add3A_145, %scan3A_137 : i32
      %broadcast_in_dim3A_147 = vector.broadcast %add3A_146 : i32 to vector<16xi32>
      %gather3A_148 = tpu.vector_load_idx %arg18[%broadcast_in_dim3A_147] : memref<144xf32, #tpu.memory_space<vmem>>[vector<16xi32>], vector<16xf32>,
      %mul3A_149 = arith.mulf %gather3A_144, %gather3A_148 : vector<16xf32>
      %add3A_150 = arith.addf %scan3A_138, %mul3A_149 : vector<16xf32>
      scf.yield %add3A_150 : vector<16xf32>
    }
    %scan3A_84 = arith.constant 64 : i32
    %swap3A_85 = arith.constant 80 : index
    %swap3A_86 = tpu.vector_load %arg19[%swap3A_85] {strides = array<i32>} : memref<112xf32, #tpu.memory_space<vmem>>, vector<16xf32>,
    tpu.vector_store %arg19[%swap3A_85], %scan3A_83 {strides = array<i32>} : memref<112xf32, #tpu.memory_space<vmem>>, vector<16xf32>,
    %add3A_87 = arith.constant 96 : i32
    %add3A_88 = vector.broadcast %add3A_87 : i32 to vector<16xi32>
    %add3A_89 = arith.addi %add3A_88, %iota3A : vector<16xi32>
    %min3A_90 = arith.constant 100 : i32
    %min3A_91 = vector.broadcast %min3A_90 : i32 to vector<16xi32>
    %min3A_92 = arith.minsi %add3A_89, %min3A_91 : vector<16xi32>
    %scan3A_93 = arith.constant 0 : i32
    %scan3A_94 = arith.constant 64 : i32
    %scan3A_95 = arith.addi %scan3A_93, %scan3A_94 : i32
    %scan3A_96 = arith.constant 1 : i32
    %scan3A_97 = scf.for %scan3A_137 = %scan3A_93 to %scan3A_95 step %scan3A_96 iter_args(%scan3A_138 = %broadcast_in_dim3A_5) -> (vector<16xf32>)  : i32 {
      %mul3A_139 = arith.constant 64 : i32
      %mul3A_140 = vector.broadcast %mul3A_139 : i32 to vector<16xi32>
      %mul3A_141 = arith.muli %min3A_92, %mul3A_140 : vector<16xi32>
      %add3A_142 = vector.broadcast %scan3A_137 : i32 to vector<16xi32>
      %add3A_143 = arith.addi %mul3A_141, %add3A_142 : vector<16xi32>
      %gather3A_144 = tpu.vector_load_idx %arg17[%add3A_143] : memref<6464xf32, #tpu.memory_space<vmem>>[vector<16xi32>], vector<16xf32>,
      %add3A_145 = arith.constant 64 : i32
      %add3A_146 = arith.addi %add3A_145, %scan3A_137 : i32
      %broadcast_in_dim3A_147 = vector.broadcast %add3A_146 : i32 to vector<16xi32>
      %gather3A_148 = tpu.vector_load_idx %arg18[%broadcast_in_dim3A_147] : memref<144xf32, #tpu.memory_space<vmem>>[vector<16xi32>], vector<16xf32>,
      %mul3A_149 = arith.mulf %gather3A_144, %gather3A_148 : vector<16xf32>
      %add3A_150 = arith.addf %scan3A_138, %mul3A_149 : vector<16xf32>
      scf.yield %add3A_150 : vector<16xf32>
    }
    %scan3A_98 = arith.constant 64 : i32
    %swap3A_99 = arith.constant 96 : index
    %swap3A_100 = tpu.vector_load %arg19[%swap3A_99] {strides = array<i32>} : memref<112xf32, #tpu.memory_space<vmem>>, vector<16xf32>,
    tpu.vector_store %arg19[%swap3A_99], %scan3A_97 {strides = array<i32>} : memref<112xf32, #tpu.memory_space<vmem>>, vector<16xf32>,
    %broadcast_in_dim3A_101 = arith.constant 128 : i32
    %broadcast_in_dim3A_102 = vector.broadcast %broadcast_in_dim3A_101 : i32 to vector<16xi32>
    %gather3A = tpu.vector_load_idx %arg18[%broadcast_in_dim3A_102] : memref<144xf32, #tpu.memory_space<vmem>>[vector<16xi32>], vector<16xf32>,
    %eq3A_103 = arith.constant 0 : i32
    %eq3A_104 = vector.broadcast %eq3A_103 : i32 to vector<16xi32>
    %eq3A_105 = arith.cmpi eq, %iota3A, %eq3A_104 : vector<16xi32>
    %jit3A = arith.constant 0.000000e+00 : f32
    %broadcast_in_dim3A_106 = vector.broadcast %jit3A : f32 to vector<16xf32>
    %select_n3A = arith.select %eq3A_105, %gather3A, %broadcast_in_dim3A_106 : vector<16xi1>, vector<16xf32>
    %barrier3A = arith.constant 0 : index
    tpu.barrier barrier_id(%barrier3A)
    %dma_start3A = arith.constant 0 : i32
    %dma_start3A_107 = arith.constant 0 : i32
    %dma_start3A_108 = tpu.memref_slice %arg9[%dma_start3A, %dma_start3A_107] : memref<128x112xi32, #tpu.memory_space<vmem>> -> memref<1x112xi32, #tpu.memory_space<vmem>>
    %dma_start3A_109 = tpu.memref_squeeze %dma_start3A_108 : memref<1x112xi32, #tpu.memory_space<vmem>> -> memref<112xi32, #tpu.memory_space<vmem>>
    %dma_start3A_110 = arith.constant 0 : i32
    %dma_start3A_111 = tpu.memref_slice %arg12[%dma_start3A_110] : memref<1048576xf32, #tpu.memory_space<vmem_shared>> -> memref<1048576xf32, #tpu.memory_space<vmem_shared>>
    tpu.enqueue_indirect_dma source(%dma_start3A_111 : memref<1048576xf32, #tpu.memory_space<vmem_shared>>) target(%arg13 : memref<112xf32, #tpu.memory_space<vmem>>) offsets(%dma_start3A_109 : memref<112xi32, #tpu.memory_space<vmem>>) semaphore(%arg21 : memref<!tpu.dma_semaphore, #tpu.memory_space<semaphore_mem>>)
    %dma_start3A_112 = arith.constant 1 : i32
    %dma_start3A_113 = arith.constant 0 : i32
    %dma_start3A_114 = tpu.memref_slice %arg9[%dma_start3A_112, %dma_start3A_113] : memref<128x112xi32, #tpu.memory_space<vmem>> -> memref<1x112xi32, #tpu.memory_space<vmem>>
    %dma_start3A_115 = tpu.memref_squeeze %dma_start3A_114 : memref<1x112xi32, #tpu.memory_space<vmem>> -> memref<112xi32, #tpu.memory_space<vmem>>
    %dma_start3A_116 = arith.constant 0 : i32
    %dma_start3A_117 = tpu.memref_slice %arg12[%dma_start3A_116] : memref<1048576xf32, #tpu.memory_space<vmem_shared>> -> memref<1048576xf32, #tpu.memory_space<vmem_shared>>
    tpu.enqueue_indirect_dma source(%dma_start3A_117 : memref<1048576xf32, #tpu.memory_space<vmem_shared>>) target(%arg14 : memref<112xf32, #tpu.memory_space<vmem>>) offsets(%dma_start3A_115 : memref<112xi32, #tpu.memory_space<vmem>>) semaphore(%arg22 : memref<!tpu.dma_semaphore, #tpu.memory_space<semaphore_mem>>)
    %dma_start3A_118 = arith.constant 2 : i32
    %dma_start3A_119 = arith.constant 0 : i32
    %dma_start3A_120 = tpu.memref_slice %arg9[%dma_start3A_118, %dma_start3A_119] : memref<128x112xi32, #tpu.memory_space<vmem>> -> memref<1x112xi32, #tpu.memory_space<vmem>>
    %dma_start3A_121 = tpu.memref_squeeze %dma_start3A_120 : memref<1x112xi32, #tpu.memory_space<vmem>> -> memref<112xi32, #tpu.memory_space<vmem>>
    %dma_start3A_122 = arith.constant 0 : i32
    %dma_start3A_123 = tpu.memref_slice %arg12[%dma_start3A_122] : memref<1048576xf32, #tpu.memory_space<vmem_shared>> -> memref<1048576xf32, #tpu.memory_space<vmem_shared>>
    tpu.enqueue_indirect_dma source(%dma_start3A_123 : memref<1048576xf32, #tpu.memory_space<vmem_shared>>) target(%arg15 : memref<112xf32, #tpu.memory_space<vmem>>) offsets(%dma_start3A_121 : memref<112xi32, #tpu.memory_space<vmem>>) semaphore(%arg23 : memref<!tpu.dma_semaphore, #tpu.memory_space<semaphore_mem>>)
    %dma_start3A_124 = arith.constant 3 : i32
    %dma_start3A_125 = arith.constant 0 : i32
    %dma_start3A_126 = tpu.memref_slice %arg9[%dma_start3A_124, %dma_start3A_125] : memref<128x112xi32, #tpu.memory_space<vmem>> -> memref<1x112xi32, #tpu.memory_space<vmem>>
    %dma_start3A_127 = tpu.memref_squeeze %dma_start3A_126 : memref<1x112xi32, #tpu.memory_space<vmem>> -> memref<112xi32, #tpu.memory_space<vmem>>
    %dma_start3A_128 = arith.constant 0 : i32
    %dma_start3A_129 = tpu.memref_slice %arg12[%dma_start3A_128] : memref<1048576xf32, #tpu.memory_space<vmem_shared>> -> memref<1048576xf32, #tpu.memory_space<vmem_shared>>
    tpu.enqueue_indirect_dma source(%dma_start3A_129 : memref<1048576xf32, #tpu.memory_space<vmem_shared>>) target(%arg16 : memref<112xf32, #tpu.memory_space<vmem>>) offsets(%dma_start3A_127 : memref<112xi32, #tpu.memory_space<vmem>>) semaphore(%arg24 : memref<!tpu.dma_semaphore, #tpu.memory_space<semaphore_mem>>)
    %scan3A_130 = arith.constant 0 : i32
    %scan3A_131 = arith.constant 0 : i32
    %scan3A_132 = arith.constant 32 : i32
    %scan3A_133 = arith.addi %scan3A_131, %scan3A_132 : i32
    %scan3A_134 = arith.constant 1 : i32
    %scan3A_135 = scf.for %scan3A_137 = %scan3A_131 to %scan3A_133 step %scan3A_134 iter_args(%scan3A_138 = %scan3A_130) -> (i32)  : i32 {
      %mul3A_139 = arith.constant 4 : i32
      %mul3A_140 = arith.muli %mul3A_139, %scan3A_137 : i32
      %dma_wait3A = arith.constant 0 : i32
      %dma_wait3A_141 = arith.constant 0 : i32
      %dma_wait3A_142 = tpu.memref_slice %arg9[%dma_wait3A, %dma_wait3A_141] : memref<128x112xi32, #tpu.memory_space<vmem>> -> memref<1x112xi32, #tpu.memory_space<vmem>>
      %dma_wait3A_143 = tpu.memref_squeeze %dma_wait3A_142 : memref<1x112xi32, #tpu.memory_space<vmem>> -> memref<112xi32, #tpu.memory_space<vmem>>
      %dma_wait3A_144 = arith.constant 0 : i32
      %dma_wait3A_145 = tpu.memref_slice %arg12[%dma_wait3A_144] : memref<1048576xf32, #tpu.memory_space<vmem_shared>> -> memref<1048576xf32, #tpu.memory_space<vmem_shared>>
      tpu.wait_indirect_dma semaphore(%arg21 : memref<!tpu.dma_semaphore, #tpu.memory_space<semaphore_mem>>) src(%dma_wait3A_145 : memref<1048576xf32, #tpu.memory_space<vmem_shared>>) dst(%arg13 : memref<112xf32, #tpu.memory_space<vmem>>)
      %add3A_146 = arith.constant 0 : i32
      %add3A_147 = arith.addi %mul3A_140, %add3A_146 : i32
      %get3A = arith.index_cast %add3A_147 : i32 to index
      %get3A_148 = arith.constant 0 : index
      %get3A_149 = tpu.vector_load %arg10[%get3A, %get3A_148] {strides = array<i32>} : memref<128x112xf32, #tpu.memory_space<vmem>>, vector<16xf32>,
      %get3A_150 = arith.index_cast %add3A_147 : i32 to index
      %get3A_151 = arith.constant 0 : index
      %get3A_152 = tpu.vector_load %arg11[%get3A_150, %get3A_151] {strides = array<i32>} : memref<128x112xi32, #tpu.memory_space<vmem>>, vector<16xi32>,
      %gather3A_153 = tpu.vector_load_idx %arg19[%get3A_152] : memref<112xf32, #tpu.memory_space<vmem>>[vector<16xi32>], vector<16xf32>,
      %mul3A_154 = arith.mulf %get3A_149, %gather3A_153 : vector<16xf32>
      %add3A_155 = arith.addf %select_n3A, %mul3A_154 : vector<16xf32>
      %get3A_156 = arith.constant 0 : index
      %get3A_157 = tpu.vector_load %arg13[%get3A_156] {strides = array<i32>} : memref<112xf32, #tpu.memory_space<vmem>>, vector<16xf32>,
      %mul3A_158 = arith.mulf %get3A_149, %get3A_157 : vector<16xf32>
      %add3A_159 = arith.addf %broadcast_in_dim3A_5, %mul3A_158 : vector<16xf32>
      %get3A_160 = arith.index_cast %add3A_147 : i32 to index
      %get3A_161 = arith.constant 16 : index
      %get3A_162 = tpu.vector_load %arg10[%get3A_160, %get3A_161] {strides = array<i32>} : memref<128x112xf32, #tpu.memory_space<vmem>>, vector<16xf32>,
      %get3A_163 = arith.index_cast %add3A_147 : i32 to index
      %get3A_164 = arith.constant 16 : index
      %get3A_165 = tpu.vector_load %arg11[%get3A_163, %get3A_164] {strides = array<i32>} : memref<128x112xi32, #tpu.memory_space<vmem>>, vector<16xi32>,
      %gather3A_166 = tpu.vector_load_idx %arg19[%get3A_165] : memref<112xf32, #tpu.memory_space<vmem>>[vector<16xi32>], vector<16xf32>,
      %mul3A_167 = arith.mulf %get3A_162, %gather3A_166 : vector<16xf32>
      %add3A_168 = arith.addf %add3A_155, %mul3A_167 : vector<16xf32>
      %get3A_169 = arith.constant 16 : index
      %get3A_170 = tpu.vector_load %arg13[%get3A_169] {strides = array<i32>} : memref<112xf32, #tpu.memory_space<vmem>>, vector<16xf32>,
      %mul3A_171 = arith.mulf %get3A_162, %get3A_170 : vector<16xf32>
      %add3A_172 = arith.addf %add3A_159, %mul3A_171 : vector<16xf32>
      %get3A_173 = arith.index_cast %add3A_147 : i32 to index
      %get3A_174 = arith.constant 32 : index
      %get3A_175 = tpu.vector_load %arg10[%get3A_173, %get3A_174] {strides = array<i32>} : memref<128x112xf32, #tpu.memory_space<vmem>>, vector<16xf32>,
      %get3A_176 = arith.index_cast %add3A_147 : i32 to index
      %get3A_177 = arith.constant 32 : index
      %get3A_178 = tpu.vector_load %arg11[%get3A_176, %get3A_177] {strides = array<i32>} : memref<128x112xi32, #tpu.memory_space<vmem>>, vector<16xi32>,
      %gather3A_179 = tpu.vector_load_idx %arg19[%get3A_178] : memref<112xf32, #tpu.memory_space<vmem>>[vector<16xi32>], vector<16xf32>,
      %mul3A_180 = arith.mulf %get3A_175, %gather3A_179 : vector<16xf32>
      %add3A_181 = arith.addf %add3A_168, %mul3A_180 : vector<16xf32>
      %get3A_182 = arith.constant 32 : index
      %get3A_183 = tpu.vector_load %arg13[%get3A_182] {strides = array<i32>} : memref<112xf32, #tpu.memory_space<vmem>>, vector<16xf32>,
      %mul3A_184 = arith.mulf %get3A_175, %get3A_183 : vector<16xf32>
      %add3A_185 = arith.addf %add3A_172, %mul3A_184 : vector<16xf32>
      %get3A_186 = arith.index_cast %add3A_147 : i32 to index
      %get3A_187 = arith.constant 48 : index
      %get3A_188 = tpu.vector_load %arg10[%get3A_186, %get3A_187] {strides = array<i32>} : memref<128x112xf32, #tpu.memory_space<vmem>>, vector<16xf32>,
      %get3A_189 = arith.index_cast %add3A_147 : i32 to index
      %get3A_190 = arith.constant 48 : index
      %get3A_191 = tpu.vector_load %arg11[%get3A_189, %get3A_190] {strides = array<i32>} : memref<128x112xi32, #tpu.memory_space<vmem>>, vector<16xi32>,
      %gather3A_192 = tpu.vector_load_idx %arg19[%get3A_191] : memref<112xf32, #tpu.memory_space<vmem>>[vector<16xi32>], vector<16xf32>,
      %mul3A_193 = arith.mulf %get3A_188, %gather3A_192 : vector<16xf32>
      %add3A_194 = arith.addf %add3A_181, %mul3A_193 : vector<16xf32>
      %get3A_195 = arith.constant 48 : index
      %get3A_196 = tpu.vector_load %arg13[%get3A_195] {strides = array<i32>} : memref<112xf32, #tpu.memory_space<vmem>>, vector<16xf32>,
      %mul3A_197 = arith.mulf %get3A_188, %get3A_196 : vector<16xf32>
      %add3A_198 = arith.addf %add3A_185, %mul3A_197 : vector<16xf32>
      %get3A_199 = arith.index_cast %add3A_147 : i32 to index
      %get3A_200 = arith.constant 64 : index
      %get3A_201 = tpu.vector_load %arg10[%get3A_199, %get3A_200] {strides = array<i32>} : memref<128x112xf32, #tpu.memory_space<vmem>>, vector<16xf32>,
      %get3A_202 = arith.index_cast %add3A_147 : i32 to index
      %get3A_203 = arith.constant 64 : index
      %get3A_204 = tpu.vector_load %arg11[%get3A_202, %get3A_203] {strides = array<i32>} : memref<128x112xi32, #tpu.memory_space<vmem>>, vector<16xi32>,
      %gather3A_205 = tpu.vector_load_idx %arg19[%get3A_204] : memref<112xf32, #tpu.memory_space<vmem>>[vector<16xi32>], vector<16xf32>,
      %mul3A_206 = arith.mulf %get3A_201, %gather3A_205 : vector<16xf32>
      %add3A_207 = arith.addf %add3A_194, %mul3A_206 : vector<16xf32>
      %get3A_208 = arith.constant 64 : index
      %get3A_209 = tpu.vector_load %arg13[%get3A_208] {strides = array<i32>} : memref<112xf32, #tpu.memory_space<vmem>>, vector<16xf32>,
      %mul3A_210 = arith.mulf %get3A_201, %get3A_209 : vector<16xf32>
      %add3A_211 = arith.addf %add3A_198, %mul3A_210 : vector<16xf32>
      %get3A_212 = arith.index_cast %add3A_147 : i32 to index
      %get3A_213 = arith.constant 80 : index
      %get3A_214 = tpu.vector_load %arg10[%get3A_212, %get3A_213] {strides = array<i32>} : memref<128x112xf32, #tpu.memory_space<vmem>>, vector<16xf32>,
      %get3A_215 = arith.index_cast %add3A_147 : i32 to index
      %get3A_216 = arith.constant 80 : index
      %get3A_217 = tpu.vector_load %arg11[%get3A_215, %get3A_216] {strides = array<i32>} : memref<128x112xi32, #tpu.memory_space<vmem>>, vector<16xi32>,
      %gather3A_218 = tpu.vector_load_idx %arg19[%get3A_217] : memref<112xf32, #tpu.memory_space<vmem>>[vector<16xi32>], vector<16xf32>,
      %mul3A_219 = arith.mulf %get3A_214, %gather3A_218 : vector<16xf32>
      %add3A_220 = arith.addf %add3A_207, %mul3A_219 : vector<16xf32>
      %get3A_221 = arith.constant 80 : index
      %get3A_222 = tpu.vector_load %arg13[%get3A_221] {strides = array<i32>} : memref<112xf32, #tpu.memory_space<vmem>>, vector<16xf32>,
      %mul3A_223 = arith.mulf %get3A_214, %get3A_222 : vector<16xf32>
      %add3A_224 = arith.addf %add3A_211, %mul3A_223 : vector<16xf32>
      %get3A_225 = arith.index_cast %add3A_147 : i32 to index
      %get3A_226 = arith.constant 96 : index
      %get3A_227 = tpu.vector_load %arg10[%get3A_225, %get3A_226] {strides = array<i32>} : memref<128x112xf32, #tpu.memory_space<vmem>>, vector<16xf32>,
      %get3A_228 = arith.index_cast %add3A_147 : i32 to index
      %get3A_229 = arith.constant 96 : index
      %get3A_230 = tpu.vector_load %arg11[%get3A_228, %get3A_229] {strides = array<i32>} : memref<128x112xi32, #tpu.memory_space<vmem>>, vector<16xi32>,
      %gather3A_231 = tpu.vector_load_idx %arg19[%get3A_230] : memref<112xf32, #tpu.memory_space<vmem>>[vector<16xi32>], vector<16xf32>,
      %mul3A_232 = arith.mulf %get3A_227, %gather3A_231 : vector<16xf32>
      %add3A_233 = arith.addf %add3A_220, %mul3A_232 : vector<16xf32>
      %get3A_234 = arith.constant 96 : index
      %get3A_235 = tpu.vector_load %arg13[%get3A_234] {strides = array<i32>} : memref<112xf32, #tpu.memory_space<vmem>>, vector<16xf32>,
      %mul3A_236 = arith.mulf %get3A_227, %get3A_235 : vector<16xf32>
      %add3A_237 = arith.addf %add3A_224, %mul3A_236 : vector<16xf32>
      %add3A_238 = arith.addf %add3A_233, %add3A_237 : vector<16xf32>
      %reduce_sum3A = arith.constant true
      %reduce_sum3A_239 = vector.broadcast %reduce_sum3A : i1 to vector<16xi1>
      %reduce_sum3A_240 = tpu.scan <sum>, %add3A_238 masked %reduce_sum3A_239 : vector<16xf32>, vector<16xi1> -> vector<16xf32>
      %reduce_sum3A_241 = vector.extract %reduce_sum3A_240[15] : f32 from vector<16xf32>
      %broadcast_in_dim3A_242 = vector.broadcast %add3A_147 : i32 to vector<16xi32>
      %broadcast_in_dim3A_243 = vector.broadcast %reduce_sum3A_241 : f32 to vector<16xf32>
      %eq3A_244 = arith.constant 0 : i32
      %eq3A_245 = vector.broadcast %eq3A_244 : i32 to vector<16xi32>
      %eq3A_246 = arith.cmpi eq, %iota3A, %eq3A_245 : vector<16xi32>
      tpu.vector_store_idx %arg20[%broadcast_in_dim3A_242], %broadcast_in_dim3A_243 masked %eq3A_246 : memref<128xf32, #tpu.memory_space<vmem>>[vector<16xi32>], vector<16xf32>, vector<16xi1>
      %add3A_247 = arith.constant 0 : i32
      %add3A_248 = arith.addi %mul3A_140, %add3A_247 : i32
      %add3A_249 = arith.constant 4 : i32
      %add3A_250 = arith.addi %add3A_248, %add3A_249 : i32
      %lt3A = arith.constant 128 : i32
      %lt3A_251 = arith.cmpi slt, %add3A_250, %lt3A : i32
      %convert_element_type3A_252 = arith.extui %lt3A_251 : i1 to i32
      %cond3A_253 = arith.constant 0 : i32
      %cond3A_254 = arith.cmpi ne, %convert_element_type3A_252, %cond3A_253 : i32
      scf.if %cond3A_254 {
        %add3A_610 = arith.constant 0 : i32
        %add3A_611 = arith.addi %mul3A_140, %add3A_610 : i32
        %add3A_612 = arith.constant 4 : i32
        %add3A_613 = arith.addi %add3A_611, %add3A_612 : i32
        %dma_start3A_614 = arith.constant 0 : i32
        %dma_start3A_615 = tpu.memref_slice %arg9[%add3A_613, %dma_start3A_614] : memref<128x112xi32, #tpu.memory_space<vmem>> -> memref<1x112xi32, #tpu.memory_space<vmem>>
        %dma_start3A_616 = tpu.memref_squeeze %dma_start3A_615 : memref<1x112xi32, #tpu.memory_space<vmem>> -> memref<112xi32, #tpu.memory_space<vmem>>
        %dma_start3A_617 = arith.constant 0 : i32
        %dma_start3A_618 = tpu.memref_slice %arg12[%dma_start3A_617] : memref<1048576xf32, #tpu.memory_space<vmem_shared>> -> memref<1048576xf32, #tpu.memory_space<vmem_shared>>
        tpu.enqueue_indirect_dma source(%dma_start3A_618 : memref<1048576xf32, #tpu.memory_space<vmem_shared>>) target(%arg13 : memref<112xf32, #tpu.memory_space<vmem>>) offsets(%dma_start3A_616 : memref<112xi32, #tpu.memory_space<vmem>>) semaphore(%arg21 : memref<!tpu.dma_semaphore, #tpu.memory_space<semaphore_mem>>)
      } else {
      }
      %dma_wait3A_255 = arith.constant 0 : i32
      %dma_wait3A_256 = arith.constant 0 : i32
      %dma_wait3A_257 = tpu.memref_slice %arg9[%dma_wait3A_255, %dma_wait3A_256] : memref<128x112xi32, #tpu.memory_space<vmem>> -> memref<1x112xi32, #tpu.memory_space<vmem>>
      %dma_wait3A_258 = tpu.memref_squeeze %dma_wait3A_257 : memref<1x112xi32, #tpu.memory_space<vmem>> -> memref<112xi32, #tpu.memory_space<vmem>>
      %dma_wait3A_259 = arith.constant 0 : i32
      %dma_wait3A_260 = tpu.memref_slice %arg12[%dma_wait3A_259] : memref<1048576xf32, #tpu.memory_space<vmem_shared>> -> memref<1048576xf32, #tpu.memory_space<vmem_shared>>
      tpu.wait_indirect_dma semaphore(%arg22 : memref<!tpu.dma_semaphore, #tpu.memory_space<semaphore_mem>>) src(%dma_wait3A_260 : memref<1048576xf32, #tpu.memory_space<vmem_shared>>) dst(%arg14 : memref<112xf32, #tpu.memory_space<vmem>>)
      %add3A_261 = arith.constant 1 : i32
      %add3A_262 = arith.addi %mul3A_140, %add3A_261 : i32
      %get3A_263 = arith.index_cast %add3A_262 : i32 to index
      %get3A_264 = arith.constant 0 : index
      %get3A_265 = tpu.vector_load %arg10[%get3A_263, %get3A_264] {strides = array<i32>} : memref<128x112xf32, #tpu.memory_space<vmem>>, vector<16xf32>,
      %get3A_266 = arith.index_cast %add3A_262 : i32 to index
      %get3A_267 = arith.constant 0 : index
      %get3A_268 = tpu.vector_load %arg11[%get3A_266, %get3A_267] {strides = array<i32>} : memref<128x112xi32, #tpu.memory_space<vmem>>, vector<16xi32>,
      %gather3A_269 = tpu.vector_load_idx %arg19[%get3A_268] : memref<112xf32, #tpu.memory_space<vmem>>[vector<16xi32>], vector<16xf32>,
      %mul3A_270 = arith.mulf %get3A_265, %gather3A_269 : vector<16xf32>
      %add3A_271 = arith.addf %select_n3A, %mul3A_270 : vector<16xf32>
      %get3A_272 = arith.constant 0 : index
      %get3A_273 = tpu.vector_load %arg14[%get3A_272] {strides = array<i32>} : memref<112xf32, #tpu.memory_space<vmem>>, vector<16xf32>,
      %mul3A_274 = arith.mulf %get3A_265, %get3A_273 : vector<16xf32>
      %add3A_275 = arith.addf %broadcast_in_dim3A_5, %mul3A_274 : vector<16xf32>
      %get3A_276 = arith.index_cast %add3A_262 : i32 to index
      %get3A_277 = arith.constant 16 : index
      %get3A_278 = tpu.vector_load %arg10[%get3A_276, %get3A_277] {strides = array<i32>} : memref<128x112xf32, #tpu.memory_space<vmem>>, vector<16xf32>,
      %get3A_279 = arith.index_cast %add3A_262 : i32 to index
      %get3A_280 = arith.constant 16 : index
      %get3A_281 = tpu.vector_load %arg11[%get3A_279, %get3A_280] {strides = array<i32>} : memref<128x112xi32, #tpu.memory_space<vmem>>, vector<16xi32>,
      %gather3A_282 = tpu.vector_load_idx %arg19[%get3A_281] : memref<112xf32, #tpu.memory_space<vmem>>[vector<16xi32>], vector<16xf32>,
      %mul3A_283 = arith.mulf %get3A_278, %gather3A_282 : vector<16xf32>
      %add3A_284 = arith.addf %add3A_271, %mul3A_283 : vector<16xf32>
      %get3A_285 = arith.constant 16 : index
      %get3A_286 = tpu.vector_load %arg14[%get3A_285] {strides = array<i32>} : memref<112xf32, #tpu.memory_space<vmem>>, vector<16xf32>,
      %mul3A_287 = arith.mulf %get3A_278, %get3A_286 : vector<16xf32>
      %add3A_288 = arith.addf %add3A_275, %mul3A_287 : vector<16xf32>
      %get3A_289 = arith.index_cast %add3A_262 : i32 to index
      %get3A_290 = arith.constant 32 : index
      %get3A_291 = tpu.vector_load %arg10[%get3A_289, %get3A_290] {strides = array<i32>} : memref<128x112xf32, #tpu.memory_space<vmem>>, vector<16xf32>,
      %get3A_292 = arith.index_cast %add3A_262 : i32 to index
      %get3A_293 = arith.constant 32 : index
      %get3A_294 = tpu.vector_load %arg11[%get3A_292, %get3A_293] {strides = array<i32>} : memref<128x112xi32, #tpu.memory_space<vmem>>, vector<16xi32>,
      %gather3A_295 = tpu.vector_load_idx %arg19[%get3A_294] : memref<112xf32, #tpu.memory_space<vmem>>[vector<16xi32>], vector<16xf32>,
      %mul3A_296 = arith.mulf %get3A_291, %gather3A_295 : vector<16xf32>
      %add3A_297 = arith.addf %add3A_284, %mul3A_296 : vector<16xf32>
      %get3A_298 = arith.constant 32 : index
      %get3A_299 = tpu.vector_load %arg14[%get3A_298] {strides = array<i32>} : memref<112xf32, #tpu.memory_space<vmem>>, vector<16xf32>,
      %mul3A_300 = arith.mulf %get3A_291, %get3A_299 : vector<16xf32>
      %add3A_301 = arith.addf %add3A_288, %mul3A_300 : vector<16xf32>
      %get3A_302 = arith.index_cast %add3A_262 : i32 to index
      %get3A_303 = arith.constant 48 : index
      %get3A_304 = tpu.vector_load %arg10[%get3A_302, %get3A_303] {strides = array<i32>} : memref<128x112xf32, #tpu.memory_space<vmem>>, vector<16xf32>,
      %get3A_305 = arith.index_cast %add3A_262 : i32 to index
      %get3A_306 = arith.constant 48 : index
      %get3A_307 = tpu.vector_load %arg11[%get3A_305, %get3A_306] {strides = array<i32>} : memref<128x112xi32, #tpu.memory_space<vmem>>, vector<16xi32>,
      %gather3A_308 = tpu.vector_load_idx %arg19[%get3A_307] : memref<112xf32, #tpu.memory_space<vmem>>[vector<16xi32>], vector<16xf32>,
      %mul3A_309 = arith.mulf %get3A_304, %gather3A_308 : vector<16xf32>
      %add3A_310 = arith.addf %add3A_297, %mul3A_309 : vector<16xf32>
      %get3A_311 = arith.constant 48 : index
      %get3A_312 = tpu.vector_load %arg14[%get3A_311] {strides = array<i32>} : memref<112xf32, #tpu.memory_space<vmem>>, vector<16xf32>,
      %mul3A_313 = arith.mulf %get3A_304, %get3A_312 : vector<16xf32>
      %add3A_314 = arith.addf %add3A_301, %mul3A_313 : vector<16xf32>
      %get3A_315 = arith.index_cast %add3A_262 : i32 to index
      %get3A_316 = arith.constant 64 : index
      %get3A_317 = tpu.vector_load %arg10[%get3A_315, %get3A_316] {strides = array<i32>} : memref<128x112xf32, #tpu.memory_space<vmem>>, vector<16xf32>,
      %get3A_318 = arith.index_cast %add3A_262 : i32 to index
      %get3A_319 = arith.constant 64 : index
      %get3A_320 = tpu.vector_load %arg11[%get3A_318, %get3A_319] {strides = array<i32>} : memref<128x112xi32, #tpu.memory_space<vmem>>, vector<16xi32>,
      %gather3A_321 = tpu.vector_load_idx %arg19[%get3A_320] : memref<112xf32, #tpu.memory_space<vmem>>[vector<16xi32>], vector<16xf32>,
      %mul3A_322 = arith.mulf %get3A_317, %gather3A_321 : vector<16xf32>
      %add3A_323 = arith.addf %add3A_310, %mul3A_322 : vector<16xf32>
      %get3A_324 = arith.constant 64 : index
      %get3A_325 = tpu.vector_load %arg14[%get3A_324] {strides = array<i32>} : memref<112xf32, #tpu.memory_space<vmem>>, vector<16xf32>,
      %mul3A_326 = arith.mulf %get3A_317, %get3A_325 : vector<16xf32>
      %add3A_327 = arith.addf %add3A_314, %mul3A_326 : vector<16xf32>
      %get3A_328 = arith.index_cast %add3A_262 : i32 to index
      %get3A_329 = arith.constant 80 : index
      %get3A_330 = tpu.vector_load %arg10[%get3A_328, %get3A_329] {strides = array<i32>} : memref<128x112xf32, #tpu.memory_space<vmem>>, vector<16xf32>,
      %get3A_331 = arith.index_cast %add3A_262 : i32 to index
      %get3A_332 = arith.constant 80 : index
      %get3A_333 = tpu.vector_load %arg11[%get3A_331, %get3A_332] {strides = array<i32>} : memref<128x112xi32, #tpu.memory_space<vmem>>, vector<16xi32>,
      %gather3A_334 = tpu.vector_load_idx %arg19[%get3A_333] : memref<112xf32, #tpu.memory_space<vmem>>[vector<16xi32>], vector<16xf32>,
      %mul3A_335 = arith.mulf %get3A_330, %gather3A_334 : vector<16xf32>
      %add3A_336 = arith.addf %add3A_323, %mul3A_335 : vector<16xf32>
      %get3A_337 = arith.constant 80 : index
      %get3A_338 = tpu.vector_load %arg14[%get3A_337] {strides = array<i32>} : memref<112xf32, #tpu.memory_space<vmem>>, vector<16xf32>,
      %mul3A_339 = arith.mulf %get3A_330, %get3A_338 : vector<16xf32>
      %add3A_340 = arith.addf %add3A_327, %mul3A_339 : vector<16xf32>
      %get3A_341 = arith.index_cast %add3A_262 : i32 to index
      %get3A_342 = arith.constant 96 : index
      %get3A_343 = tpu.vector_load %arg10[%get3A_341, %get3A_342] {strides = array<i32>} : memref<128x112xf32, #tpu.memory_space<vmem>>, vector<16xf32>,
      %get3A_344 = arith.index_cast %add3A_262 : i32 to index
      %get3A_345 = arith.constant 96 : index
      %get3A_346 = tpu.vector_load %arg11[%get3A_344, %get3A_345] {strides = array<i32>} : memref<128x112xi32, #tpu.memory_space<vmem>>, vector<16xi32>,
      %gather3A_347 = tpu.vector_load_idx %arg19[%get3A_346] : memref<112xf32, #tpu.memory_space<vmem>>[vector<16xi32>], vector<16xf32>,
      %mul3A_348 = arith.mulf %get3A_343, %gather3A_347 : vector<16xf32>
      %add3A_349 = arith.addf %add3A_336, %mul3A_348 : vector<16xf32>
      %get3A_350 = arith.constant 96 : index
      %get3A_351 = tpu.vector_load %arg14[%get3A_350] {strides = array<i32>} : memref<112xf32, #tpu.memory_space<vmem>>, vector<16xf32>,
      %mul3A_352 = arith.mulf %get3A_343, %get3A_351 : vector<16xf32>
      %add3A_353 = arith.addf %add3A_340, %mul3A_352 : vector<16xf32>
      %add3A_354 = arith.addf %add3A_349, %add3A_353 : vector<16xf32>
      %reduce_sum3A_355 = arith.constant true
      %reduce_sum3A_356 = vector.broadcast %reduce_sum3A_355 : i1 to vector<16xi1>
      %reduce_sum3A_357 = tpu.scan <sum>, %add3A_354 masked %reduce_sum3A_356 : vector<16xf32>, vector<16xi1> -> vector<16xf32>
      %reduce_sum3A_358 = vector.extract %reduce_sum3A_357[15] : f32 from vector<16xf32>
      %broadcast_in_dim3A_359 = vector.broadcast %add3A_262 : i32 to vector<16xi32>
      %broadcast_in_dim3A_360 = vector.broadcast %reduce_sum3A_358 : f32 to vector<16xf32>
      %eq3A_361 = arith.constant 0 : i32
      %eq3A_362 = vector.broadcast %eq3A_361 : i32 to vector<16xi32>
      %eq3A_363 = arith.cmpi eq, %iota3A, %eq3A_362 : vector<16xi32>
      tpu.vector_store_idx %arg20[%broadcast_in_dim3A_359], %broadcast_in_dim3A_360 masked %eq3A_363 : memref<128xf32, #tpu.memory_space<vmem>>[vector<16xi32>], vector<16xf32>, vector<16xi1>
      %add3A_364 = arith.constant 1 : i32
      %add3A_365 = arith.addi %mul3A_140, %add3A_364 : i32
      %add3A_366 = arith.constant 4 : i32
      %add3A_367 = arith.addi %add3A_365, %add3A_366 : i32
      %lt3A_368 = arith.constant 128 : i32
      %lt3A_369 = arith.cmpi slt, %add3A_367, %lt3A_368 : i32
      %convert_element_type3A_370 = arith.extui %lt3A_369 : i1 to i32
      %cond3A_371 = arith.constant 0 : i32
      %cond3A_372 = arith.cmpi ne, %convert_element_type3A_370, %cond3A_371 : i32
      scf.if %cond3A_372 {
        %add3A_610 = arith.constant 1 : i32
        %add3A_611 = arith.addi %mul3A_140, %add3A_610 : i32
        %add3A_612 = arith.constant 4 : i32
        %add3A_613 = arith.addi %add3A_611, %add3A_612 : i32
        %dma_start3A_614 = arith.constant 0 : i32
        %dma_start3A_615 = tpu.memref_slice %arg9[%add3A_613, %dma_start3A_614] : memref<128x112xi32, #tpu.memory_space<vmem>> -> memref<1x112xi32, #tpu.memory_space<vmem>>
        %dma_start3A_616 = tpu.memref_squeeze %dma_start3A_615 : memref<1x112xi32, #tpu.memory_space<vmem>> -> memref<112xi32, #tpu.memory_space<vmem>>
        %dma_start3A_617 = arith.constant 0 : i32
        %dma_start3A_618 = tpu.memref_slice %arg12[%dma_start3A_617] : memref<1048576xf32, #tpu.memory_space<vmem_shared>> -> memref<1048576xf32, #tpu.memory_space<vmem_shared>>
        tpu.enqueue_indirect_dma source(%dma_start3A_618 : memref<1048576xf32, #tpu.memory_space<vmem_shared>>) target(%arg14 : memref<112xf32, #tpu.memory_space<vmem>>) offsets(%dma_start3A_616 : memref<112xi32, #tpu.memory_space<vmem>>) semaphore(%arg22 : memref<!tpu.dma_semaphore, #tpu.memory_space<semaphore_mem>>)
      } else {
      }
      %dma_wait3A_373 = arith.constant 0 : i32
      %dma_wait3A_374 = arith.constant 0 : i32
      %dma_wait3A_375 = tpu.memref_slice %arg9[%dma_wait3A_373, %dma_wait3A_374] : memref<128x112xi32, #tpu.memory_space<vmem>> -> memref<1x112xi32, #tpu.memory_space<vmem>>
      %dma_wait3A_376 = tpu.memref_squeeze %dma_wait3A_375 : memref<1x112xi32, #tpu.memory_space<vmem>> -> memref<112xi32, #tpu.memory_space<vmem>>
      %dma_wait3A_377 = arith.constant 0 : i32
      %dma_wait3A_378 = tpu.memref_slice %arg12[%dma_wait3A_377] : memref<1048576xf32, #tpu.memory_space<vmem_shared>> -> memref<1048576xf32, #tpu.memory_space<vmem_shared>>
      tpu.wait_indirect_dma semaphore(%arg23 : memref<!tpu.dma_semaphore, #tpu.memory_space<semaphore_mem>>) src(%dma_wait3A_378 : memref<1048576xf32, #tpu.memory_space<vmem_shared>>) dst(%arg15 : memref<112xf32, #tpu.memory_space<vmem>>)
      %add3A_379 = arith.constant 2 : i32
      %add3A_380 = arith.addi %mul3A_140, %add3A_379 : i32
      %get3A_381 = arith.index_cast %add3A_380 : i32 to index
      %get3A_382 = arith.constant 0 : index
      %get3A_383 = tpu.vector_load %arg10[%get3A_381, %get3A_382] {strides = array<i32>} : memref<128x112xf32, #tpu.memory_space<vmem>>, vector<16xf32>,
      %get3A_384 = arith.index_cast %add3A_380 : i32 to index
      %get3A_385 = arith.constant 0 : index
      %get3A_386 = tpu.vector_load %arg11[%get3A_384, %get3A_385] {strides = array<i32>} : memref<128x112xi32, #tpu.memory_space<vmem>>, vector<16xi32>,
      %gather3A_387 = tpu.vector_load_idx %arg19[%get3A_386] : memref<112xf32, #tpu.memory_space<vmem>>[vector<16xi32>], vector<16xf32>,
      %mul3A_388 = arith.mulf %get3A_383, %gather3A_387 : vector<16xf32>
      %add3A_389 = arith.addf %select_n3A, %mul3A_388 : vector<16xf32>
      %get3A_390 = arith.constant 0 : index
      %get3A_391 = tpu.vector_load %arg15[%get3A_390] {strides = array<i32>} : memref<112xf32, #tpu.memory_space<vmem>>, vector<16xf32>,
      %mul3A_392 = arith.mulf %get3A_383, %get3A_391 : vector<16xf32>
      %add3A_393 = arith.addf %broadcast_in_dim3A_5, %mul3A_392 : vector<16xf32>
      %get3A_394 = arith.index_cast %add3A_380 : i32 to index
      %get3A_395 = arith.constant 16 : index
      %get3A_396 = tpu.vector_load %arg10[%get3A_394, %get3A_395] {strides = array<i32>} : memref<128x112xf32, #tpu.memory_space<vmem>>, vector<16xf32>,
      %get3A_397 = arith.index_cast %add3A_380 : i32 to index
      %get3A_398 = arith.constant 16 : index
      %get3A_399 = tpu.vector_load %arg11[%get3A_397, %get3A_398] {strides = array<i32>} : memref<128x112xi32, #tpu.memory_space<vmem>>, vector<16xi32>,
      %gather3A_400 = tpu.vector_load_idx %arg19[%get3A_399] : memref<112xf32, #tpu.memory_space<vmem>>[vector<16xi32>], vector<16xf32>,
      %mul3A_401 = arith.mulf %get3A_396, %gather3A_400 : vector<16xf32>
      %add3A_402 = arith.addf %add3A_389, %mul3A_401 : vector<16xf32>
      %get3A_403 = arith.constant 16 : index
      %get3A_404 = tpu.vector_load %arg15[%get3A_403] {strides = array<i32>} : memref<112xf32, #tpu.memory_space<vmem>>, vector<16xf32>,
      %mul3A_405 = arith.mulf %get3A_396, %get3A_404 : vector<16xf32>
      %add3A_406 = arith.addf %add3A_393, %mul3A_405 : vector<16xf32>
      %get3A_407 = arith.index_cast %add3A_380 : i32 to index
      %get3A_408 = arith.constant 32 : index
      %get3A_409 = tpu.vector_load %arg10[%get3A_407, %get3A_408] {strides = array<i32>} : memref<128x112xf32, #tpu.memory_space<vmem>>, vector<16xf32>,
      %get3A_410 = arith.index_cast %add3A_380 : i32 to index
      %get3A_411 = arith.constant 32 : index
      %get3A_412 = tpu.vector_load %arg11[%get3A_410, %get3A_411] {strides = array<i32>} : memref<128x112xi32, #tpu.memory_space<vmem>>, vector<16xi32>,
      %gather3A_413 = tpu.vector_load_idx %arg19[%get3A_412] : memref<112xf32, #tpu.memory_space<vmem>>[vector<16xi32>], vector<16xf32>,
      %mul3A_414 = arith.mulf %get3A_409, %gather3A_413 : vector<16xf32>
      %add3A_415 = arith.addf %add3A_402, %mul3A_414 : vector<16xf32>
      %get3A_416 = arith.constant 32 : index
      %get3A_417 = tpu.vector_load %arg15[%get3A_416] {strides = array<i32>} : memref<112xf32, #tpu.memory_space<vmem>>, vector<16xf32>,
      %mul3A_418 = arith.mulf %get3A_409, %get3A_417 : vector<16xf32>
      %add3A_419 = arith.addf %add3A_406, %mul3A_418 : vector<16xf32>
      %get3A_420 = arith.index_cast %add3A_380 : i32 to index
      %get3A_421 = arith.constant 48 : index
      %get3A_422 = tpu.vector_load %arg10[%get3A_420, %get3A_421] {strides = array<i32>} : memref<128x112xf32, #tpu.memory_space<vmem>>, vector<16xf32>,
      %get3A_423 = arith.index_cast %add3A_380 : i32 to index
      %get3A_424 = arith.constant 48 : index
      %get3A_425 = tpu.vector_load %arg11[%get3A_423, %get3A_424] {strides = array<i32>} : memref<128x112xi32, #tpu.memory_space<vmem>>, vector<16xi32>,
      %gather3A_426 = tpu.vector_load_idx %arg19[%get3A_425] : memref<112xf32, #tpu.memory_space<vmem>>[vector<16xi32>], vector<16xf32>,
      %mul3A_427 = arith.mulf %get3A_422, %gather3A_426 : vector<16xf32>
      %add3A_428 = arith.addf %add3A_415, %mul3A_427 : vector<16xf32>
      %get3A_429 = arith.constant 48 : index
      %get3A_430 = tpu.vector_load %arg15[%get3A_429] {strides = array<i32>} : memref<112xf32, #tpu.memory_space<vmem>>, vector<16xf32>,
      %mul3A_431 = arith.mulf %get3A_422, %get3A_430 : vector<16xf32>
      %add3A_432 = arith.addf %add3A_419, %mul3A_431 : vector<16xf32>
      %get3A_433 = arith.index_cast %add3A_380 : i32 to index
      %get3A_434 = arith.constant 64 : index
      %get3A_435 = tpu.vector_load %arg10[%get3A_433, %get3A_434] {strides = array<i32>} : memref<128x112xf32, #tpu.memory_space<vmem>>, vector<16xf32>,
      %get3A_436 = arith.index_cast %add3A_380 : i32 to index
      %get3A_437 = arith.constant 64 : index
      %get3A_438 = tpu.vector_load %arg11[%get3A_436, %get3A_437] {strides = array<i32>} : memref<128x112xi32, #tpu.memory_space<vmem>>, vector<16xi32>,
      %gather3A_439 = tpu.vector_load_idx %arg19[%get3A_438] : memref<112xf32, #tpu.memory_space<vmem>>[vector<16xi32>], vector<16xf32>,
      %mul3A_440 = arith.mulf %get3A_435, %gather3A_439 : vector<16xf32>
      %add3A_441 = arith.addf %add3A_428, %mul3A_440 : vector<16xf32>
      %get3A_442 = arith.constant 64 : index
      %get3A_443 = tpu.vector_load %arg15[%get3A_442] {strides = array<i32>} : memref<112xf32, #tpu.memory_space<vmem>>, vector<16xf32>,
      %mul3A_444 = arith.mulf %get3A_435, %get3A_443 : vector<16xf32>
      %add3A_445 = arith.addf %add3A_432, %mul3A_444 : vector<16xf32>
      %get3A_446 = arith.index_cast %add3A_380 : i32 to index
      %get3A_447 = arith.constant 80 : index
      %get3A_448 = tpu.vector_load %arg10[%get3A_446, %get3A_447] {strides = array<i32>} : memref<128x112xf32, #tpu.memory_space<vmem>>, vector<16xf32>,
      %get3A_449 = arith.index_cast %add3A_380 : i32 to index
      %get3A_450 = arith.constant 80 : index
      %get3A_451 = tpu.vector_load %arg11[%get3A_449, %get3A_450] {strides = array<i32>} : memref<128x112xi32, #tpu.memory_space<vmem>>, vector<16xi32>,
      %gather3A_452 = tpu.vector_load_idx %arg19[%get3A_451] : memref<112xf32, #tpu.memory_space<vmem>>[vector<16xi32>], vector<16xf32>,
      %mul3A_453 = arith.mulf %get3A_448, %gather3A_452 : vector<16xf32>
      %add3A_454 = arith.addf %add3A_441, %mul3A_453 : vector<16xf32>
      %get3A_455 = arith.constant 80 : index
      %get3A_456 = tpu.vector_load %arg15[%get3A_455] {strides = array<i32>} : memref<112xf32, #tpu.memory_space<vmem>>, vector<16xf32>,
      %mul3A_457 = arith.mulf %get3A_448, %get3A_456 : vector<16xf32>
      %add3A_458 = arith.addf %add3A_445, %mul3A_457 : vector<16xf32>
      %get3A_459 = arith.index_cast %add3A_380 : i32 to index
      %get3A_460 = arith.constant 96 : index
      %get3A_461 = tpu.vector_load %arg10[%get3A_459, %get3A_460] {strides = array<i32>} : memref<128x112xf32, #tpu.memory_space<vmem>>, vector<16xf32>,
      %get3A_462 = arith.index_cast %add3A_380 : i32 to index
      %get3A_463 = arith.constant 96 : index
      %get3A_464 = tpu.vector_load %arg11[%get3A_462, %get3A_463] {strides = array<i32>} : memref<128x112xi32, #tpu.memory_space<vmem>>, vector<16xi32>,
      %gather3A_465 = tpu.vector_load_idx %arg19[%get3A_464] : memref<112xf32, #tpu.memory_space<vmem>>[vector<16xi32>], vector<16xf32>,
      %mul3A_466 = arith.mulf %get3A_461, %gather3A_465 : vector<16xf32>
      %add3A_467 = arith.addf %add3A_454, %mul3A_466 : vector<16xf32>
      %get3A_468 = arith.constant 96 : index
      %get3A_469 = tpu.vector_load %arg15[%get3A_468] {strides = array<i32>} : memref<112xf32, #tpu.memory_space<vmem>>, vector<16xf32>,
      %mul3A_470 = arith.mulf %get3A_461, %get3A_469 : vector<16xf32>
      %add3A_471 = arith.addf %add3A_458, %mul3A_470 : vector<16xf32>
      %add3A_472 = arith.addf %add3A_467, %add3A_471 : vector<16xf32>
      %reduce_sum3A_473 = arith.constant true
      %reduce_sum3A_474 = vector.broadcast %reduce_sum3A_473 : i1 to vector<16xi1>
      %reduce_sum3A_475 = tpu.scan <sum>, %add3A_472 masked %reduce_sum3A_474 : vector<16xf32>, vector<16xi1> -> vector<16xf32>
      %reduce_sum3A_476 = vector.extract %reduce_sum3A_475[15] : f32 from vector<16xf32>
      %broadcast_in_dim3A_477 = vector.broadcast %add3A_380 : i32 to vector<16xi32>
      %broadcast_in_dim3A_478 = vector.broadcast %reduce_sum3A_476 : f32 to vector<16xf32>
      %eq3A_479 = arith.constant 0 : i32
      %eq3A_480 = vector.broadcast %eq3A_479 : i32 to vector<16xi32>
      %eq3A_481 = arith.cmpi eq, %iota3A, %eq3A_480 : vector<16xi32>
      tpu.vector_store_idx %arg20[%broadcast_in_dim3A_477], %broadcast_in_dim3A_478 masked %eq3A_481 : memref<128xf32, #tpu.memory_space<vmem>>[vector<16xi32>], vector<16xf32>, vector<16xi1>
      %add3A_482 = arith.constant 2 : i32
      %add3A_483 = arith.addi %mul3A_140, %add3A_482 : i32
      %add3A_484 = arith.constant 4 : i32
      %add3A_485 = arith.addi %add3A_483, %add3A_484 : i32
      %lt3A_486 = arith.constant 128 : i32
      %lt3A_487 = arith.cmpi slt, %add3A_485, %lt3A_486 : i32
      %convert_element_type3A_488 = arith.extui %lt3A_487 : i1 to i32
      %cond3A_489 = arith.constant 0 : i32
      %cond3A_490 = arith.cmpi ne, %convert_element_type3A_488, %cond3A_489 : i32
      scf.if %cond3A_490 {
        %add3A_610 = arith.constant 2 : i32
        %add3A_611 = arith.addi %mul3A_140, %add3A_610 : i32
        %add3A_612 = arith.constant 4 : i32
        %add3A_613 = arith.addi %add3A_611, %add3A_612 : i32
        %dma_start3A_614 = arith.constant 0 : i32
        %dma_start3A_615 = tpu.memref_slice %arg9[%add3A_613, %dma_start3A_614] : memref<128x112xi32, #tpu.memory_space<vmem>> -> memref<1x112xi32, #tpu.memory_space<vmem>>
        %dma_start3A_616 = tpu.memref_squeeze %dma_start3A_615 : memref<1x112xi32, #tpu.memory_space<vmem>> -> memref<112xi32, #tpu.memory_space<vmem>>
        %dma_start3A_617 = arith.constant 0 : i32
        %dma_start3A_618 = tpu.memref_slice %arg12[%dma_start3A_617] : memref<1048576xf32, #tpu.memory_space<vmem_shared>> -> memref<1048576xf32, #tpu.memory_space<vmem_shared>>
        tpu.enqueue_indirect_dma source(%dma_start3A_618 : memref<1048576xf32, #tpu.memory_space<vmem_shared>>) target(%arg15 : memref<112xf32, #tpu.memory_space<vmem>>) offsets(%dma_start3A_616 : memref<112xi32, #tpu.memory_space<vmem>>) semaphore(%arg23 : memref<!tpu.dma_semaphore, #tpu.memory_space<semaphore_mem>>)
      } else {
      }
      %dma_wait3A_491 = arith.constant 0 : i32
      %dma_wait3A_492 = arith.constant 0 : i32
      %dma_wait3A_493 = tpu.memref_slice %arg9[%dma_wait3A_491, %dma_wait3A_492] : memref<128x112xi32, #tpu.memory_space<vmem>> -> memref<1x112xi32, #tpu.memory_space<vmem>>
      %dma_wait3A_494 = tpu.memref_squeeze %dma_wait3A_493 : memref<1x112xi32, #tpu.memory_space<vmem>> -> memref<112xi32, #tpu.memory_space<vmem>>
      %dma_wait3A_495 = arith.constant 0 : i32
      %dma_wait3A_496 = tpu.memref_slice %arg12[%dma_wait3A_495] : memref<1048576xf32, #tpu.memory_space<vmem_shared>> -> memref<1048576xf32, #tpu.memory_space<vmem_shared>>
      tpu.wait_indirect_dma semaphore(%arg24 : memref<!tpu.dma_semaphore, #tpu.memory_space<semaphore_mem>>) src(%dma_wait3A_496 : memref<1048576xf32, #tpu.memory_space<vmem_shared>>) dst(%arg16 : memref<112xf32, #tpu.memory_space<vmem>>)
      %add3A_497 = arith.constant 3 : i32
      %add3A_498 = arith.addi %mul3A_140, %add3A_497 : i32
      %get3A_499 = arith.index_cast %add3A_498 : i32 to index
      %get3A_500 = arith.constant 0 : index
      %get3A_501 = tpu.vector_load %arg10[%get3A_499, %get3A_500] {strides = array<i32>} : memref<128x112xf32, #tpu.memory_space<vmem>>, vector<16xf32>,
      %get3A_502 = arith.index_cast %add3A_498 : i32 to index
      %get3A_503 = arith.constant 0 : index
      %get3A_504 = tpu.vector_load %arg11[%get3A_502, %get3A_503] {strides = array<i32>} : memref<128x112xi32, #tpu.memory_space<vmem>>, vector<16xi32>,
      %gather3A_505 = tpu.vector_load_idx %arg19[%get3A_504] : memref<112xf32, #tpu.memory_space<vmem>>[vector<16xi32>], vector<16xf32>,
      %mul3A_506 = arith.mulf %get3A_501, %gather3A_505 : vector<16xf32>
      %add3A_507 = arith.addf %select_n3A, %mul3A_506 : vector<16xf32>
      %get3A_508 = arith.constant 0 : index
      %get3A_509 = tpu.vector_load %arg16[%get3A_508] {strides = array<i32>} : memref<112xf32, #tpu.memory_space<vmem>>, vector<16xf32>,
      %mul3A_510 = arith.mulf %get3A_501, %get3A_509 : vector<16xf32>
      %add3A_511 = arith.addf %broadcast_in_dim3A_5, %mul3A_510 : vector<16xf32>
      %get3A_512 = arith.index_cast %add3A_498 : i32 to index
      %get3A_513 = arith.constant 16 : index
      %get3A_514 = tpu.vector_load %arg10[%get3A_512, %get3A_513] {strides = array<i32>} : memref<128x112xf32, #tpu.memory_space<vmem>>, vector<16xf32>,
      %get3A_515 = arith.index_cast %add3A_498 : i32 to index
      %get3A_516 = arith.constant 16 : index
      %get3A_517 = tpu.vector_load %arg11[%get3A_515, %get3A_516] {strides = array<i32>} : memref<128x112xi32, #tpu.memory_space<vmem>>, vector<16xi32>,
      %gather3A_518 = tpu.vector_load_idx %arg19[%get3A_517] : memref<112xf32, #tpu.memory_space<vmem>>[vector<16xi32>], vector<16xf32>,
      %mul3A_519 = arith.mulf %get3A_514, %gather3A_518 : vector<16xf32>
      %add3A_520 = arith.addf %add3A_507, %mul3A_519 : vector<16xf32>
      %get3A_521 = arith.constant 16 : index
      %get3A_522 = tpu.vector_load %arg16[%get3A_521] {strides = array<i32>} : memref<112xf32, #tpu.memory_space<vmem>>, vector<16xf32>,
      %mul3A_523 = arith.mulf %get3A_514, %get3A_522 : vector<16xf32>
      %add3A_524 = arith.addf %add3A_511, %mul3A_523 : vector<16xf32>
      %get3A_525 = arith.index_cast %add3A_498 : i32 to index
      %get3A_526 = arith.constant 32 : index
      %get3A_527 = tpu.vector_load %arg10[%get3A_525, %get3A_526] {strides = array<i32>} : memref<128x112xf32, #tpu.memory_space<vmem>>, vector<16xf32>,
      %get3A_528 = arith.index_cast %add3A_498 : i32 to index
      %get3A_529 = arith.constant 32 : index
      %get3A_530 = tpu.vector_load %arg11[%get3A_528, %get3A_529] {strides = array<i32>} : memref<128x112xi32, #tpu.memory_space<vmem>>, vector<16xi32>,
      %gather3A_531 = tpu.vector_load_idx %arg19[%get3A_530] : memref<112xf32, #tpu.memory_space<vmem>>[vector<16xi32>], vector<16xf32>,
      %mul3A_532 = arith.mulf %get3A_527, %gather3A_531 : vector<16xf32>
      %add3A_533 = arith.addf %add3A_520, %mul3A_532 : vector<16xf32>
      %get3A_534 = arith.constant 32 : index
      %get3A_535 = tpu.vector_load %arg16[%get3A_534] {strides = array<i32>} : memref<112xf32, #tpu.memory_space<vmem>>, vector<16xf32>,
      %mul3A_536 = arith.mulf %get3A_527, %get3A_535 : vector<16xf32>
      %add3A_537 = arith.addf %add3A_524, %mul3A_536 : vector<16xf32>
      %get3A_538 = arith.index_cast %add3A_498 : i32 to index
      %get3A_539 = arith.constant 48 : index
      %get3A_540 = tpu.vector_load %arg10[%get3A_538, %get3A_539] {strides = array<i32>} : memref<128x112xf32, #tpu.memory_space<vmem>>, vector<16xf32>,
      %get3A_541 = arith.index_cast %add3A_498 : i32 to index
      %get3A_542 = arith.constant 48 : index
      %get3A_543 = tpu.vector_load %arg11[%get3A_541, %get3A_542] {strides = array<i32>} : memref<128x112xi32, #tpu.memory_space<vmem>>, vector<16xi32>,
      %gather3A_544 = tpu.vector_load_idx %arg19[%get3A_543] : memref<112xf32, #tpu.memory_space<vmem>>[vector<16xi32>], vector<16xf32>,
      %mul3A_545 = arith.mulf %get3A_540, %gather3A_544 : vector<16xf32>
      %add3A_546 = arith.addf %add3A_533, %mul3A_545 : vector<16xf32>
      %get3A_547 = arith.constant 48 : index
      %get3A_548 = tpu.vector_load %arg16[%get3A_547] {strides = array<i32>} : memref<112xf32, #tpu.memory_space<vmem>>, vector<16xf32>,
      %mul3A_549 = arith.mulf %get3A_540, %get3A_548 : vector<16xf32>
      %add3A_550 = arith.addf %add3A_537, %mul3A_549 : vector<16xf32>
      %get3A_551 = arith.index_cast %add3A_498 : i32 to index
      %get3A_552 = arith.constant 64 : index
      %get3A_553 = tpu.vector_load %arg10[%get3A_551, %get3A_552] {strides = array<i32>} : memref<128x112xf32, #tpu.memory_space<vmem>>, vector<16xf32>,
      %get3A_554 = arith.index_cast %add3A_498 : i32 to index
      %get3A_555 = arith.constant 64 : index
      %get3A_556 = tpu.vector_load %arg11[%get3A_554, %get3A_555] {strides = array<i32>} : memref<128x112xi32, #tpu.memory_space<vmem>>, vector<16xi32>,
      %gather3A_557 = tpu.vector_load_idx %arg19[%get3A_556] : memref<112xf32, #tpu.memory_space<vmem>>[vector<16xi32>], vector<16xf32>,
      %mul3A_558 = arith.mulf %get3A_553, %gather3A_557 : vector<16xf32>
      %add3A_559 = arith.addf %add3A_546, %mul3A_558 : vector<16xf32>
      %get3A_560 = arith.constant 64 : index
      %get3A_561 = tpu.vector_load %arg16[%get3A_560] {strides = array<i32>} : memref<112xf32, #tpu.memory_space<vmem>>, vector<16xf32>,
      %mul3A_562 = arith.mulf %get3A_553, %get3A_561 : vector<16xf32>
      %add3A_563 = arith.addf %add3A_550, %mul3A_562 : vector<16xf32>
      %get3A_564 = arith.index_cast %add3A_498 : i32 to index
      %get3A_565 = arith.constant 80 : index
      %get3A_566 = tpu.vector_load %arg10[%get3A_564, %get3A_565] {strides = array<i32>} : memref<128x112xf32, #tpu.memory_space<vmem>>, vector<16xf32>,
      %get3A_567 = arith.index_cast %add3A_498 : i32 to index
      %get3A_568 = arith.constant 80 : index
      %get3A_569 = tpu.vector_load %arg11[%get3A_567, %get3A_568] {strides = array<i32>} : memref<128x112xi32, #tpu.memory_space<vmem>>, vector<16xi32>,
      %gather3A_570 = tpu.vector_load_idx %arg19[%get3A_569] : memref<112xf32, #tpu.memory_space<vmem>>[vector<16xi32>], vector<16xf32>,
      %mul3A_571 = arith.mulf %get3A_566, %gather3A_570 : vector<16xf32>
      %add3A_572 = arith.addf %add3A_559, %mul3A_571 : vector<16xf32>
      %get3A_573 = arith.constant 80 : index
      %get3A_574 = tpu.vector_load %arg16[%get3A_573] {strides = array<i32>} : memref<112xf32, #tpu.memory_space<vmem>>, vector<16xf32>,
      %mul3A_575 = arith.mulf %get3A_566, %get3A_574 : vector<16xf32>
      %add3A_576 = arith.addf %add3A_563, %mul3A_575 : vector<16xf32>
      %get3A_577 = arith.index_cast %add3A_498 : i32 to index
      %get3A_578 = arith.constant 96 : index
      %get3A_579 = tpu.vector_load %arg10[%get3A_577, %get3A_578] {strides = array<i32>} : memref<128x112xf32, #tpu.memory_space<vmem>>, vector<16xf32>,
      %get3A_580 = arith.index_cast %add3A_498 : i32 to index
      %get3A_581 = arith.constant 96 : index
      %get3A_582 = tpu.vector_load %arg11[%get3A_580, %get3A_581] {strides = array<i32>} : memref<128x112xi32, #tpu.memory_space<vmem>>, vector<16xi32>,
      %gather3A_583 = tpu.vector_load_idx %arg19[%get3A_582] : memref<112xf32, #tpu.memory_space<vmem>>[vector<16xi32>], vector<16xf32>,
      %mul3A_584 = arith.mulf %get3A_579, %gather3A_583 : vector<16xf32>
      %add3A_585 = arith.addf %add3A_572, %mul3A_584 : vector<16xf32>
      %get3A_586 = arith.constant 96 : index
      %get3A_587 = tpu.vector_load %arg16[%get3A_586] {strides = array<i32>} : memref<112xf32, #tpu.memory_space<vmem>>, vector<16xf32>,
      %mul3A_588 = arith.mulf %get3A_579, %get3A_587 : vector<16xf32>
      %add3A_589 = arith.addf %add3A_576, %mul3A_588 : vector<16xf32>
      %add3A_590 = arith.addf %add3A_585, %add3A_589 : vector<16xf32>
      %reduce_sum3A_591 = arith.constant true
      %reduce_sum3A_592 = vector.broadcast %reduce_sum3A_591 : i1 to vector<16xi1>
      %reduce_sum3A_593 = tpu.scan <sum>, %add3A_590 masked %reduce_sum3A_592 : vector<16xf32>, vector<16xi1> -> vector<16xf32>
      %reduce_sum3A_594 = vector.extract %reduce_sum3A_593[15] : f32 from vector<16xf32>
      %broadcast_in_dim3A_595 = vector.broadcast %add3A_498 : i32 to vector<16xi32>
      %broadcast_in_dim3A_596 = vector.broadcast %reduce_sum3A_594 : f32 to vector<16xf32>
      %eq3A_597 = arith.constant 0 : i32
      %eq3A_598 = vector.broadcast %eq3A_597 : i32 to vector<16xi32>
      %eq3A_599 = arith.cmpi eq, %iota3A, %eq3A_598 : vector<16xi32>
      tpu.vector_store_idx %arg20[%broadcast_in_dim3A_595], %broadcast_in_dim3A_596 masked %eq3A_599 : memref<128xf32, #tpu.memory_space<vmem>>[vector<16xi32>], vector<16xf32>, vector<16xi1>
      %add3A_600 = arith.constant 3 : i32
      %add3A_601 = arith.addi %mul3A_140, %add3A_600 : i32
      %add3A_602 = arith.constant 4 : i32
      %add3A_603 = arith.addi %add3A_601, %add3A_602 : i32
      %lt3A_604 = arith.constant 128 : i32
      %lt3A_605 = arith.cmpi slt, %add3A_603, %lt3A_604 : i32
      %convert_element_type3A_606 = arith.extui %lt3A_605 : i1 to i32
      %cond3A_607 = arith.constant 0 : i32
      %cond3A_608 = arith.cmpi ne, %convert_element_type3A_606, %cond3A_607 : i32
      scf.if %cond3A_608 {
        %add3A_610 = arith.constant 3 : i32
        %add3A_611 = arith.addi %mul3A_140, %add3A_610 : i32
        %add3A_612 = arith.constant 4 : i32
        %add3A_613 = arith.addi %add3A_611, %add3A_612 : i32
        %dma_start3A_614 = arith.constant 0 : i32
        %dma_start3A_615 = tpu.memref_slice %arg9[%add3A_613, %dma_start3A_614] : memref<128x112xi32, #tpu.memory_space<vmem>> -> memref<1x112xi32, #tpu.memory_space<vmem>>
        %dma_start3A_616 = tpu.memref_squeeze %dma_start3A_615 : memref<1x112xi32, #tpu.memory_space<vmem>> -> memref<112xi32, #tpu.memory_space<vmem>>
        %dma_start3A_617 = arith.constant 0 : i32
        %dma_start3A_618 = tpu.memref_slice %arg12[%dma_start3A_617] : memref<1048576xf32, #tpu.memory_space<vmem_shared>> -> memref<1048576xf32, #tpu.memory_space<vmem_shared>>
        tpu.enqueue_indirect_dma source(%dma_start3A_618 : memref<1048576xf32, #tpu.memory_space<vmem_shared>>) target(%arg16 : memref<112xf32, #tpu.memory_space<vmem>>) offsets(%dma_start3A_616 : memref<112xi32, #tpu.memory_space<vmem>>) semaphore(%arg24 : memref<!tpu.dma_semaphore, #tpu.memory_space<semaphore_mem>>)
      } else {
      }
      %scan3A_609 = arith.constant 0 : i32
      scf.yield %scan3A_609 : i32
    }
    %scan3A_136 = arith.constant 32 : i32
    "tpu.region"() ({
      %run_scoped3A = tpu.sem_alloc : memref<!tpu.dma_semaphore, #tpu.memory_space<semaphore_mem>>
      %dma_start3A_137 = tpu.memref_slice %arg8[%mul3A_2] : memref<4096xf32, #tpu.memory_space<hbm>> -> memref<128xf32, #tpu.memory_space<hbm>>
      %dma_start3A_138 = tpu.memref_slice %arg8[%mul3A_2] : memref<4096xf32, #tpu.memory_space<hbm>> -> memref<128xf32, #tpu.memory_space<hbm>>
      tpu.enqueue_dma source(%arg20 : memref<128xf32, #tpu.memory_space<vmem>>) target(%dma_start3A_138 : memref<128xf32, #tpu.memory_space<hbm>>) target_semaphore(%run_scoped3A : memref<!tpu.dma_semaphore, #tpu.memory_space<semaphore_mem>>)
      %dma_wait3A = tpu.memref_slice %arg8[%mul3A_2] : memref<4096xf32, #tpu.memory_space<hbm>> -> memref<128xf32, #tpu.memory_space<hbm>>
      %dma_wait3A_139 = tpu.memref_slice %arg8[%mul3A_2] : memref<4096xf32, #tpu.memory_space<hbm>> -> memref<128xf32, #tpu.memory_space<hbm>>
      tpu.wait_dma2 semaphore(%run_scoped3A : memref<!tpu.dma_semaphore, #tpu.memory_space<semaphore_mem>>) src(%arg20 : memref<128xf32, #tpu.memory_space<vmem>>) dst(%dma_wait3A_139 : memref<128xf32, #tpu.memory_space<hbm>>)
      tpu.yield
    }) : () -> ()
    return
  }
}

</mosaic_0001>

<sc_bundles>
// kernel: _run.3.cloned.1.call-start
scs
__scs_entry_jumppad:
0x0: {  	(pc) =	sbr.rel $0x88, $3  }
0x1: {  	(tag) =	ssettag $0x0;
	lr =	simm.s32 $0x1  }
0x2: {  	[smem:$0x3F9B] =	sst lr;
	_ =	strace $0xD0000000  }
0x3: {  	_ = 	snop  }
0x4: {  	_ = 	snop  }
0x5: {  	_ = 	snop  }
0x6: {  	_ = 	snop  }
0x7: {  	_ = 	snop  }
__scs_overlays_trampoline_lowered:
0x8: {  	[smem:$0x3FAA] =	sst s0  }
0x9: {  	[smem:$0x3FAB] =	sst s1  }
0xa: {  	[smem:$0x3FAC] =	sst s2  }
0xb: {  	[smem:$0x3FAD] =	sst s3  }
0xc: {  	[smem:$0x3FAE] =	sst s4  }
0xd: {  	[smem:$0x3FAF] =	sst s5  }
0xe: {  	[smem:$0x3FB0] =	sst s6  }
0xf: {  	[smem:$0x3FB1] =	sst s7  }
0x10: {  	[smem:$0x3FB2] =	sst s8  }
0x11: {  	[smem:$0x3FB3] =	sst s9;
	s0 =	simm.s32 @!p0 $0x0  }
0x12: {  	s1 =	sld [smem:$0x3F99];
	s0 =	simm.s32 @p0 $0x1  }
0x13: {  	[smem:$0x3FB4] =	sst s0;
	s0 =	simm.s32 @!p1 $0x0  }
0x14: {  	s2 =	sld [smem:$0x3F98];
	s0 =	simm.s32 @p1 $0x1  }
0x15: {  	[smem:$0x3FB5] =	sst s0;
	s0 =	simm.s32 @!p2 $0x0  }
0x16: {  	s3 =	sld [smem:$0x3FDB];
	s0 =	simm.s32 @p2 $0x1  }
0x17: {  	s4 =	simm.s32 $0x1BF5;
	[smem:$0x3FB7] =	sst s0  }
0x18: {  	s0 =	sld [smem:$0x3F9A];
	_ =	swait.ge [sflag:s4], $0x0  }
0x19: {  	s7 =	sld [smem:$0x3F9B]  }
0x1a: {  	s8 =	sadd.s32 $0xFFFFE003, lr  }
0x1b: {  	s9 =	sadd.s32 $0xFFFFFEF7, lr;
	s5 =	simm.s32 $0xFFFFFFFF;
	p2 =	slt.u32 s8, $0xFFFFF086  }
0x1c: {  	p1 =	slt.u32 s9, $0xF7A;
	s5 =	simm.s32 @!p2 $0x0  }
0x1d: {  	s5 =	simm.s32 @p1 $0x1;
	p0 =	seq.s32 s7, s2  }
0x1e: {  	s7 =	smul.u32 @!p0 $0xF7A, s2;
	p2 =	seq.s32 @!p0 s5, $0x0  }
0x1f: {  	s9 =	smul.u32 $0xF7A, s1;
	s8 =	simm.s32 @!p0 $0x1BF5;
	p2 =	por !p2, p0  }
0x20: {  	[sflag:s8] =	ssyncset.s32 @!p0 $0xFFFFF086;
	s6 =	sadd.s32 @!p0 s3, s7;
	s7 =	simm.s32 @!p0 $0x108  }
0x21: {  	s3 =	sadd.s32 s3, s9;
	s6 =	sadd.s32 @!p0 $0x88, s6;
	s7 =	simm.s32 @p2 $0x1082  }
0x22: {  	[simem:s7], [sflag:s8] =	dma.local @!p0 [hbm:s6], $0xF7A  }
0x23: {  	s9 =	sor.u32 $0xD0000000, s2;
	s6 =	simm.s32 $0x108;
	_ =	swait.ge @!p0 [sflag:s8], $0x0  }
0x24: {  	s3 =	sadd.s32 $0x88, s3;
	s6 =	simm.s32 @!p1 $0x1082;
	[sflag:s4] =	ssyncset.s32 $0xFFFFF086  }
0x25: {  	[simem:s6], [sflag:s4] =	dma.local [hbm:s3], $0xF7A  }
0x26: {  	[smem:$0x3F9B] =	sst s1;
	(tag) =	ssettag s2;
	_ =	strace s9  }
0x27: {  	s1 =	sld [smem:$0x3FAB]  }
0x28: {  	s2 =	sld [smem:$0x3FAC]  }
0x29: {  	s4 =	sld [smem:$0x3FAE]  }
0x2a: {  	p0 =	seq.s32 s5, $0x0;
	s5 =	sld [smem:$0x3FAF]  }
0x2b: {  	s6 =	sld [smem:$0x3FB0]  }
0x2c: {  	s7 =	sld [smem:$0x3FB1]  }
0x2d: {  	s3 =	simm.s32 $0x108;
	s8 =	sld [smem:$0x3FB2]  }
0x2e: {  	s3 =	simm.s32 @!p0 $0x1082;
	s9 =	sld [smem:$0x3FB3]  }
0x2f: {  	lr =	sadd.s32 s0, s3;
	s0 =	sld [smem:$0x3FAA]  }
0x30: {  	s3 =	sld [smem:$0x3FAD]  }
0x31: {  	[smem:$0x3FB6] =	sst s10  }
0x32: {  	s10 =	sld [smem:$0x3FB4];
	_ =	sdelay $0x3  }
0x33: {  	p0 =	seq.s32 s10, $0x1;
	s10 =	sld [smem:$0x3FB6];
	_ =	sdelay $0x3  }
0x34: {  	[smem:$0x3FB6] =	sst s10  }
0x35: {  	s10 =	sld [smem:$0x3FB5];
	_ =	sdelay $0x3  }
0x36: {  	p1 =	seq.s32 s10, $0x1;
	s10 =	sld [smem:$0x3FB6];
	_ =	sdelay $0x3  }
0x37: {  	[smem:$0x3FB6] =	sst s10  }
0x38: {  	s10 =	sld [smem:$0x3FB7]  }
0x39: {  	_ = 	snop;
	(pc) =	sbr.ind lr, $3  }
0x3a: {  	_ = 	snop  }
0x3b: {  	_ = 	snop  }
0x3c: {  	p2 =	seq.s32 s10, $0x1;
	s10 =	sld [smem:$0x3FB6]  }
0x3d: {  	_ =	shalt  }
0x3e: {  	_ =	shalt  }
0x3f: {  	_ =	shalt  }
0x40: {  	_ =	shalt  }
0x41: {  	_ =	shalt  }
0x42: {  	_ =	shalt  }
0x43: {  	_ =	shalt  }
0x44: {  	_ =	shalt  }
0x45: {  	_ =	shalt  }
0x46: {  	_ =	shalt  }
0x47: {  	_ =	shalt  }
0x48: {  	_ =	shalt  }
0x49: {  	_ =	shalt  }
0x4a: {  	_ =	shalt  }
0x4b: {  	_ =	shalt  }
0x4c: {  	_ =	shalt  }
0x4d: {  	_ =	shalt  }
0x4e: {  	_ =	shalt  }
0x4f: {  	_ =	shalt  }
0x50: {  	_ =	shalt  }
0x51: {  	_ =	shalt  }
0x52: {  	_ =	shalt  }
0x53: {  	_ =	shalt  }
0x54: {  	_ =	shalt  }
0x55: {  	_ =	shalt  }
0x56: {  	_ =	shalt  }
0x57: {  	_ =	shalt  }
0x58: {  	_ =	shalt  }
0x59: {  	_ =	shalt  }
0x5a: {  	_ =	shalt  }
0x5b: {  	_ =	shalt  }
0x5c: {  	_ =	shalt  }
0x5d: {  	_ =	shalt  }
0x5e: {  	_ =	shalt  }
0x5f: {  	_ =	shalt  }
0x60: {  	_ =	shalt  }
0x61: {  	_ =	shalt  }
0x62: {  	_ =	shalt  }
0x63: {  	_ =	shalt  }
0x64: {  	_ =	shalt  }
0x65: {  	_ =	shalt  }
0x66: {  	_ =	shalt  }
0x67: {  	_ =	shalt  }
0x68: {  	_ =	shalt  }
0x69: {  	_ =	shalt  }
0x6a: {  	_ =	shalt  }
0x6b: {  	_ =	shalt  }
0x6c: {  	_ =	shalt  }
0x6d: {  	_ =	shalt  }
0x6e: {  	_ =	shalt  }
0x6f: {  	_ =	shalt  }
0x70: {  	_ =	shalt  }
0x71: {  	_ =	shalt  }
0x72: {  	_ =	shalt  }
0x73: {  	_ =	shalt  }
0x74: {  	_ =	shalt  }
0x75: {  	_ =	shalt  }
0x76: {  	_ =	shalt  }
0x77: {  	_ =	shalt  }
0x78: {  	_ =	shalt  }
0x79: {  	_ =	shalt  }
0x7a: {  	_ =	shalt  }
0x7b: {  	_ =	shalt  }
0x7c: {  	_ =	shalt  }
0x7d: {  	_ =	shalt  }
0x7e: {  	_ =	shalt  }
0x7f: {  	_ =	shalt  }
0x80: {  	_ =	shalt  }
0x81: {  	_ =	shalt  }
0x82: {  	_ =	shalt  }
0x83: {  	_ =	shalt  }
0x84: {  	_ =	shalt  }
0x85: {  	_ =	shalt  }
0x86: {  	_ =	shalt  }
0x87: {  	_ =	shalt  }
.Lfunc_end0:
.L_simem_size_0:
called_computation_lowered:
.L_overlay_start_0:
0x88: {  	s2 =	sld [smem:$0x3FD9]  }
0x89: {  	s3 =	sld [smem:$0x3FFE];
	_ =	sdelay $0x1  }
0x8a: {  	s1 =	srdreg.scid  }
0x8b: {  	s0 =	sand.u32 $0x1, s1  }
0x8c: {  	s17 =	sshll.u32 s0, $0xA;
	s2 =	sadd.s32 s3, s2  }
0x8d: {  	s2 =	sadd.s32 s2, s17  }
0x8e: {  	[smem:$0x3FC2] =	sst s2  }
0x8f: {  	_ = 	snop  }
0x90: {  	s2 =	sld [smem:$0x3FC6]  }
0x91: {  	s18 =	sld [smem:$0x3FC5]  }
0x92: {  	s4 =	sld [smem:$0x3FC4]  }
0x93: {  	s5 =	sld [smem:$0x3FD0];
	(tm) =	ssettm $0x1  }
0x94: {  	s6 =	sld [smem:$0x3FFB];
	_ =	sdelay $0x3  }
0x95: {  	_ =	strace s6  }
0x96: {  	s6 =	sld [smem:$0x3FFC];
	_ =	sdelay $0x3  }
0x97: {  	_ =	strace s6  }
0x98: {  	s6 =	sld [smem:$0x3FFD];
	_ =	sdelay $0x3  }
0x99: {  	_ =	strace s6  }
0x9a: {  	_ =	strace $0x8FFFFFFF  }
0x9b: {  	s19 =	sld [smem:$0x3FDB];
	_ =	sdelay $0x1  }
0x9c: {  	s7 =	simm.s32 $_scs_section_size  }
0x9d: {  	s8 =	simm.s32 $_size__tile_overlayer_lowered;
	s9 =	simm.s32 $_tile_overlayer_lowered  }
0x9e: {  	s22 =	simm.s32 $0x1BFF;
	s21 =	sshll.u32 s9, $0x1;
	s6 =	sadd.s32 s7, s19  }
0x9f: {  	s10 =	simm.s32 $0x0;
	s20 =	sshll.u32 s8, $0x1;
	s8 =	sadd.s32 s21, s6  }
0xa0: {  	[timem:s10], [sflag:s22] =	dma.local [hbm:s8], s20  }
0xa1: {  	_ =	swait.ge [sflag:s22], s20  }
0xa2: {  	s7 =	ssub.s32 $0x0, s20;
	[sflag:s22] =	ssyncset.done $0x0  }
0xa3: {  	[sflag:s22] =	ssyncadd.s32 s7;
	_ =	sdelay $0x1  }
0xa4: {  	s23 =	simm.s32 $0x1B8B  }
0xa5: {  	_ =	swait.ge [sflag:s23], $0x1  }
0xa6: {  	[sflag:s23] =	ssyncset.done $0x0  }
0xa7: {  	s25 =	simm.s32 $0x1B8E;
	s24 =	sld [smem:$0x3FFE];
	[sflag:s23] =	ssyncadd.s32 $0xFFFFFFFF  }
0xa8: {  	s26 =	simm.s32 $execute0_lowered;
	[smem:$0x3FD2] =	sst s25  }
0xa9: {  	s8 =	sshll.u32 s26, $0x1;
	_ =	strace $0x80000046;
	[dreg:$0x1] =	wrdreg $0xFFFFFFFF  }
0xaa: {  	s28 =	simm.s32 $_size_execute0_lowered;
	s6 =	sadd.s32 s6, s8;
	[dreg:$0x0] =	wrdreg $0x0  }
0xab: {  	s8 =	sshll.u32 s28, $0x1;
	[dreg:$0x2] =	wrdreg s6  }
0xac: {  	[dreg:$0x3] =	wrdreg s8  }
0xad: {  	[dreg:$0x4] =	wrdreg $0xC0  }
0xae: {  	_ =	task [dreg:s10], $0x5FFFF  }
0xaf: {  	[dreg:$0x1] =	wrdreg $0xFFFFFFFF  }
0xb0: {  	[dreg:$0x0] =	wrdreg $0x60  }
0xb1: {  	[dreg:$0x2] =	wrdreg s24  }
0xb2: {  	[dreg:$0x3] =	wrdreg s2  }
0xb3: {  	[dreg:$0x4] =	wrdreg s18  }
0xb4: {  	[dreg:$0x5] =	wrdreg s4  }
0xb5: {  	[dreg:$0x6] =	wrdreg s5  }
0xb6: {  	[dreg:$0x7] =	wrdreg $0xA8000  }
0xb7: {  	[dreg:$0x8] =	wrdreg $0x9  }
0xb8: {  	_ =	task.clear_ibuf [dreg:s10], $0x9FFFF;
	_ =	strace $0x90000046  }
0xb9: {  	s29 =	simm.s32 $0x9;
	_ =	strace $0x80000048  }
0xba: {  	_ =	swait.ge [sflag:s29], $0x1  }
0xbb: {  	[sflag:s29] =	ssyncadd.s32 $0xFFFFFFFF  }
0xbc: {  	_ =	strace $0x90000048  }
0xbd: {  	_ =	sfence  }
0xbe: {  	s30 =	sld [smem:$0x0];
	_ =	sdelay $0x2  }
0xbf: {  	s31 =	sshll.u32 s1, $0xD;
	s1 =	sshrl.u32 s1, $0x2  }
0xc0: {  	s3 =	sand.u32 $0x4000, s31;
	s1 =	sadd.s32 s1, s30  }
0xc1: {  	s0 =	sor.u32 s3, s0;
	s1 =	sshll.u32 s1, $0x11  }
0xc2: {  	s0 =	sor.u32 s1, s0  }
0xc3: {  	s0 =	sadd.s32 $0x8F2B, s0  }
0xc4: {  	[sflag:s0] =	ssyncadd.remote.s32 $0x1  }
0xc5: {  	_ =	sfence.sel $0xFFFF  }
0xc6: {  	[dreg:$0x0] =	wrdreg $0xFFFFFFFF;
	(pc) =	sbr.abs _section_cstart, $3  }
0xc7: {  	[dreg:$0x1] =	wrdreg $0xFFFFFFFF  }
0xc8: {  	_ =	task.clear_ibuf [dreg:s10], $0x2FFFF;
	_ =	strace $0x9FFFFFFF  }
0xc9: {  	(tm) =	ssettm $0x7FFFFFFF  }
tec
execute0_lowered:
.L_overlay_start_1:
0x0: {  	(tag) =	ssettag $0x1  }
0x1: {  	s0 =	rddreg [dreg:$0x0]  }
0x2: {  	s1 =	srdreg.scid;
	s2 =	rddreg [dreg:$0x4]  }
0x3: {  	s3 =	stileid.u32;
	s4 =	rddreg [dreg:$0x5];
	s12 =	simm.s32 $0x5  }
0x4: {  	s15 =	simm.s32 $0x1A9C0;
	s16 =	simm.s32 $0x1C300;
	s17 =	simm.s32 $0x70  }
0x5: {  	s19 =	simm.s32 $0x1A870;
	s20 =	simm.s32 $0xE0;
	s21 =	simm.s32 $0x1A8E0  }
0x6: {  	s22 =	simm.s32 $0x150;
	s23 =	simm.s32 $0x1A950;
	s24 =	simm.s32 $0x1  }
0x7: {  	s25 =	simm.s32 $0x1C390;
	s26 =	simm.s32 $0x1C400;
	s28 =	simm.s32 $0x2  }
0x8: {  	s29 =	simm.s32 $0x3;
	s30 =	simm.s32 $0x4;
	s31 =	simm.s32 $0x0  }
0x9: {  	s1 =	sand.u32 $0x1, s1;
	s5 =	sshll.u32 s3, $0x8;
	p0 =	sne.s32 s3, $0x0  }
0xa: {  	v0 =	vlaneseq.u32;
	v4 =	vimm.s32 $0x1900;
	vm0 =	vcmask $0x300;
	s6 =	sshll.u32 s1, $0x7;
	s1 =	ssub.s32 $0x2, s1;
	s11 =	sshrl.u32 @!p0 s4, $0x3  }
.Ltmp0:
0xb: {  	v0 =	vmul.u32 $0x40, v0;
	v5 =	vsel vm0, $0x1800, v4;
	vm0 =	vcmask $0x704;
	s8 =	sor.u32 s6, s5;
	s5 =	simm.s32 $0x0;
	(pc) =	sbr.rel .LBB2_1-.Ltmp0, $4  }
0xc: {  	v7 =	vimm.s32 $0x80;
	v6 =	vsel vm0, $0x1840, v5;
	vm0 =	vcmask $0xB08;
	s7 =	sshrl.u32 s1, $0x1;
	s6 =	smul.u32 $0xE, s8;
	[smem:$0x7FF] =	sst s5  }
0xd: {  	v1 =	vor.u32 $0x400, v0;
	v2 =	vor.u32 $0x800, v0;
	v3 =	vor.u32 $0xC00, v0;
	s1 =	ssub.s32 s1, s7;
	s9 =	sshrl.u32 s8, $0x3;
	_ =	strace $0x80000047  }
0xe: {  	v4 =	vor.u32 $0x1000, v0;
	v6 =	vsel vm0, $0x1880, v6;
	vm0 =	vcmask $0xF0C;
	s9 =	sadd.s32 s2, s9;
	s10 =	smax.u32 s1, $0x1;
	s0 =	sadd.s32 s6, s0  }
0xf: {  	v5 =	vor.u32 $0x1400, v0;
	v6 =	vsel vm0, $0x18C0, v6;
	vm0 =	vmmov $0x1;
	s6 =	sadd.s32 $0x800, s0;
	s7 =	sadd.s32 $0xE800, s0;
	s8 =	sadd.s32 $0x1C800, s0  }
.LBB2_18:
0x10: {  	s31 =	sadd.s32 $0x1, s31  }
0x11: {  	p1 =	sne.s32 s31, s10  }
.Ltmp1:
0x12: {  	_ = 	snop;
	(pc) =	sbr.rel @!p1 .LBB2_19-.Ltmp1, $4  }
0x13: {  	[hbm4b:s9+s5] =	stream.linear.scatter [tilespmem:s26], [sflag:$0x5], $0x80, $0x38;
	[tilespmem:$0x1C480] =	vst v63  }
0x14: {  	_ =	swait.ge [sflag:s12], $0x80  }
0x15: {  	[sflag:s12] =	ssyncset.done $0x0  }
0x16: {  	[sflag:s12] =	ssyncadd.s32 $0xFFFFFF80  }
.LBB2_1:
0x17: {  	s0 =	simm.s32 @!p0 $0x1C05;
	s1 =	rddreg [dreg:$0x1]  }
0x18: {  	[spmem:s11], [sflag:s0] =	dma.local @!p0 [hbm:s1], $0x20000  }
0x19: {  	s0 =	simm.s32 @!p0 $0x5  }
0x1a: {  	_ =	swait.ge @!p0 [sflag:s0], $0x20000  }
0x1b: {  	[sflag:s0] =	ssyncset.done @!p0 $0x0  }
0x1c: {  	[sflag:s0] =	ssyncadd.s32 @!p0 $0xFFFE0000  }
0x1d: {  	[tilespmem:s5], [sflag:$0x5] =	stream.linear.gather [hbm4b:s6+s5], $0x3800, $0x38;
	[tilespmem:$0x1C480] =	vst v63  }
0x1e: {  	_ =	swait.ge [sflag:s12], $0x3800  }
0x1f: {  	[sflag:s12] =	ssyncset.done $0x0  }
0x20: {  	s18 =	simm.s32 $0x3800;
	[sflag:s12] =	ssyncadd.s32 $0xFFFFC800  }
0x21: {  	[tilespmem:s18], [sflag:$0x5] =	stream.linear.gather [hbm4b:s7+s5], $0x3800, $0x38;
	[tilespmem:$0x1C480] =	vst v63  }
0x22: {  	_ =	swait.ge [sflag:s12], $0x3800  }
0x23: {  	[sflag:s12] =	ssyncset.done $0x0  }
0x24: {  	s1 =	simm.s32 $0x7000;
	[sflag:s12] =	ssyncadd.s32 $0xFFFFC800  }
0x25: {  	[tilespmem:s1], [sflag:$0x5] =	stream.linear.gather [hbm4b:s8+s5], $0x3800, $0x38;
	[tilespmem:$0x1C480] =	vst v63  }
0x26: {  	_ =	swait.ge [sflag:s12], $0x3800  }
0x27: {  	[sflag:s12] =	ssyncset.done $0x0  }
0x28: {  	[sflag:s12] =	ssyncadd.s32 $0xFFFFC800  }
0x29: {  	s2 =	rddreg [dreg:$0x2]  }
0x2a: {  	[tilespmem:s15], [sflag:$0x5] =	stream.linear.gather [hbm4b:s2+s5], $0x1940, $0x38;
	[tilespmem:$0x1C480] =	vst v63  }
0x2b: {  	_ =	swait.ge [sflag:s12], $0x1940  }
0x2c: {  	[sflag:s12] =	ssyncset.done $0x0  }
0x2d: {  	[sflag:s12] =	ssyncadd.s32 $0xFFFFE6C0  }
0x2e: {  	v8 =	vor.u32 s5, v0;
	s13 =	simm.s32 $0x40;
	s3 =	rddreg [dreg:$0x3]  }
0x2f: {  	v9 =	vmov s13;
	[tilespmem:s16], [sflag:$0x5] =	stream.linear.gather [hbm4b:s3+s5], $0x90, $0x38;
	[tilespmem:$0x1C480] =	vst v63  }
0x30: {  	_ =	swait.ge [sflag:s12], $0x90  }
0x31: {  	[sflag:s12] =	ssyncset.done $0x0  }
0x32: {  	s14 =	simm.s32 $0x1;
	[sflag:s12] =	ssyncadd.s32 $0xFFFFFF70  }
0x33: {  	v10 =	vor.u32 s14, v0;
	s18 =	simm.s32 $0x41;
	v12 =	vld.idx.msk [tilespmem:v8+s15+$0x0], $0xffff  }
0x34: {  	v11 =	vmov s18;
	v9 =	vld.idx.msk [tilespmem:v9+s16+$0x0], $0xffff;
	_ =	sdelay $0x3  }
0x35: {  	s0 =	simm.s32 $0x2;
	v8 =	vimm.f32 $0.0e+00;
	v10 =	vld.idx.msk [tilespmem:v10+s15+$0x0], $0xffff  }
.LBB2_2:
0x36: {  	v13 =	vor.u32 s0, v0;
	s1 =	sadd.s32 $0x40, s0;
	p1 =	sne.s32 s0, $0x3F;
	s0 =	sadd.s32 $0x1, s0;
	v12 =	vmul.f32 v9, v12;
	v9 =	vld.idx.msk [tilespmem:v11+s16+$0x0], $0xffff  }
.Ltmp2:
0x37: {  	v11 =	vmov s1;
	(pc) =	sbr.rel @p1 .LBB2_2-.Ltmp2, $2  }
0x38: {  	v8 =	vadd.f32 v12, v8;
	_ =	sdelay $0x2  }
0x39: {  	v12 =	vmov v10;
	v10 =	vld.idx.msk [tilespmem:v13+s15+$0x0], $0xffff  }
0x3a: {  	_ =	sdelay $0x3  }
0x3b: {  	v11 =	vld.idx.msk [tilespmem:v11+s16+$0x0], $0xffff;
	_ =	sdelay $0x2  }
0x3c: {  	v9 =	vmul.f32 v9, v12  }
0x3d: {  	s0 =	simm.s32 $0x0  }
0x3e: {  	s14 =	simm.s32 $0x40;
	v8 =	vadd.f32 v9, v8;
	v9 =	vmul.f32 v11, v10;
	v10 =	vor.u32 s0, v1  }
0x3f: {  	v11 =	vmov s14  }
0x40: {  	v8 =	vadd.f32 v9, v8;
	_ =	sdelay $0x1  }
0x41: {  	s1 =	simm.s32 $0x1;
	[tilespmem:$0x1C390] =	vst v8  }
0x42: {  	s18 =	simm.s32 $0x41;
	v13 =	vor.u32 s1, v1;
	v12 =	vld.idx.msk [tilespmem:v10+s15+$0x0], $0xffff  }
0x43: {  	v9 =	vld.idx.msk [tilespmem:v11+s16+$0x0], $0xffff;
	v11 =	vmov s18;
	_ =	sdelay $0x3  }
0x44: {  	s0 =	simm.s32 $0x2;
	v8 =	vimm.f32 $0.0e+00;
	v10 =	vld.idx.msk [tilespmem:v13+s15+$0x0], $0xffff  }
.LBB2_4:
0x45: {  	v13 =	vor.u32 s0, v1;
	s1 =	sadd.s32 $0x40, s0;
	p1 =	sne.s32 s0, $0x3F;
	s0 =	sadd.s32 $0x1, s0;
	v12 =	vmul.f32 v9, v12;
	v9 =	vld.idx.msk [tilespmem:v11+s16+$0x0], $0xffff  }
.Ltmp3:
0x46: {  	v11 =	vmov s1;
	(pc) =	sbr.rel @p1 .LBB2_4-.Ltmp3, $2  }
0x47: {  	v8 =	vadd.f32 v12, v8;
	_ =	sdelay $0x2  }
0x48: {  	v12 =	vmov v10;
	v10 =	vld.idx.msk [tilespmem:v13+s15+$0x0], $0xffff  }
0x49: {  	_ =	sdelay $0x3  }
0x4a: {  	v11 =	vld.idx.msk [tilespmem:v11+s16+$0x0], $0xffff;
	_ =	sdelay $0x2  }
0x4b: {  	v9 =	vmul.f32 v9, v12  }
0x4c: {  	s0 =	simm.s32 $0x0  }
0x4d: {  	s14 =	simm.s32 $0x40;
	v8 =	vadd.f32 v9, v8;
	v9 =	vmul.f32 v11, v10;
	v10 =	vor.u32 s0, v2  }
0x4e: {  	v11 =	vmov s14  }
0x4f: {  	v8 =	vadd.f32 v9, v8;
	_ =	sdelay $0x1  }
0x50: {  	s1 =	simm.s32 $0x1;
	[tilespmem:$0x1C3A0] =	vst v8  }
0x51: {  	s18 =	simm.s32 $0x41;
	v13 =	vor.u32 s1, v2;
	v12 =	vld.idx.msk [tilespmem:v10+s15+$0x0], $0xffff  }
0x52: {  	v9 =	vld.idx.msk [tilespmem:v11+s16+$0x0], $0xffff;
	v11 =	vmov s18;
	_ =	sdelay $0x3  }
0x53: {  	s0 =	simm.s32 $0x2;
	v8 =	vimm.f32 $0.0e+00;
	v10 =	vld.idx.msk [tilespmem:v13+s15+$0x0], $0xffff  }
.LBB2_6:
0x54: {  	v13 =	vor.u32 s0, v2;
	s1 =	sadd.s32 $0x40, s0;
	p1 =	sne.s32 s0, $0x3F;
	s0 =	sadd.s32 $0x1, s0;
	v12 =	vmul.f32 v9, v12;
	v9 =	vld.idx.msk [tilespmem:v11+s16+$0x0], $0xffff  }
.Ltmp4:
0x55: {  	v11 =	vmov s1;
	(pc) =	sbr.rel @p1 .LBB2_6-.Ltmp4, $2  }
0x56: {  	v8 =	vadd.f32 v12, v8;
	_ =	sdelay $0x2  }
0x57: {  	v12 =	vmov v10;
	v10 =	vld.idx.msk [tilespmem:v13+s15+$0x0], $0xffff  }
0x58: {  	_ =	sdelay $0x3  }
0x59: {  	v11 =	vld.idx.msk [tilespmem:v11+s16+$0x0], $0xffff;
	_ =	sdelay $0x2  }
0x5a: {  	v9 =	vmul.f32 v9, v12  }
0x5b: {  	s0 =	simm.s32 $0x0  }
0x5c: {  	s14 =	simm.s32 $0x40;
	v8 =	vadd.f32 v9, v8;
	v9 =	vmul.f32 v11, v10;
	v10 =	vor.u32 s0, v3  }
0x5d: {  	v11 =	vmov s14  }
0x5e: {  	v8 =	vadd.f32 v9, v8;
	_ =	sdelay $0x1  }
0x5f: {  	s1 =	simm.s32 $0x1;
	[tilespmem:$0x1C3B0] =	vst v8  }
0x60: {  	s18 =	simm.s32 $0x41;
	v13 =	vor.u32 s1, v3;
	v12 =	vld.idx.msk [tilespmem:v10+s15+$0x0], $0xffff  }
0x61: {  	v9 =	vld.idx.msk [tilespmem:v11+s16+$0x0], $0xffff;
	v11 =	vmov s18;
	_ =	sdelay $0x3  }
0x62: {  	s0 =	simm.s32 $0x2;
	v8 =	vimm.f32 $0.0e+00;
	v10 =	vld.idx.msk [tilespmem:v13+s15+$0x0], $0xffff  }
.LBB2_8:
0x63: {  	v13 =	vor.u32 s0, v3;
	s1 =	sadd.s32 $0x40, s0;
	p1 =	sne.s32 s0, $0x3F;
	s0 =	sadd.s32 $0x1, s0;
	v12 =	vmul.f32 v9, v12;
	v9 =	vld.idx.msk [tilespmem:v11+s16+$0x0], $0xffff  }
.Ltmp5:
0x64: {  	v11 =	vmov s1;
	(pc) =	sbr.rel @p1 .LBB2_8-.Ltmp5, $2  }
0x65: {  	v8 =	vadd.f32 v12, v8;
	_ =	sdelay $0x2  }
0x66: {  	v12 =	vmov v10;
	v10 =	vld.idx.msk [tilespmem:v13+s15+$0x0], $0xffff  }
0x67: {  	_ =	sdelay $0x3  }
0x68: {  	v11 =	vld.idx.msk [tilespmem:v11+s16+$0x0], $0xffff;
	_ =	sdelay $0x2  }
0x69: {  	v9 =	vmul.f32 v9, v12  }
0x6a: {  	s0 =	simm.s32 $0x0  }
0x6b: {  	s14 =	simm.s32 $0x40;
	v8 =	vadd.f32 v9, v8;
	v9 =	vmul.f32 v11, v10;
	v10 =	vor.u32 s0, v4  }
0x6c: {  	v11 =	vmov s14  }
0x6d: {  	v8 =	vadd.f32 v9, v8;
	_ =	sdelay $0x1  }
0x6e: {  	s1 =	simm.s32 $0x1;
	[tilespmem:$0x1C3C0] =	vst v8  }
0x6f: {  	s18 =	simm.s32 $0x41;
	v13 =	vor.u32 s1, v4;
	v12 =	vld.idx.msk [tilespmem:v10+s15+$0x0], $0xffff  }
0x70: {  	v9 =	vld.idx.msk [tilespmem:v11+s16+$0x0], $0xffff;
	v11 =	vmov s18;
	_ =	sdelay $0x3  }
0x71: {  	s0 =	simm.s32 $0x2;
	v8 =	vimm.f32 $0.0e+00;
	v10 =	vld.idx.msk [tilespmem:v13+s15+$0x0], $0xffff  }
.LBB2_10:
0x72: {  	v13 =	vor.u32 s0, v4;
	s1 =	sadd.s32 $0x40, s0;
	p1 =	sne.s32 s0, $0x3F;
	s0 =	sadd.s32 $0x1, s0;
	v12 =	vmul.f32 v9, v12;
	v9 =	vld.idx.msk [tilespmem:v11+s16+$0x0], $0xffff  }
.Ltmp6:
0x73: {  	v11 =	vmov s1;
	(pc) =	sbr.rel @p1 .LBB2_10-.Ltmp6, $2  }
0x74: {  	v8 =	vadd.f32 v12, v8;
	_ =	sdelay $0x2  }
0x75: {  	v12 =	vmov v10;
	v10 =	vld.idx.msk [tilespmem:v13+s15+$0x0], $0xffff  }
0x76: {  	_ =	sdelay $0x3  }
0x77: {  	v11 =	vld.idx.msk [tilespmem:v11+s16+$0x0], $0xffff;
	_ =	sdelay $0x2  }
0x78: {  	v9 =	vmul.f32 v9, v12  }
0x79: {  	s0 =	simm.s32 $0x0  }
0x7a: {  	s14 =	simm.s32 $0x40;
	v8 =	vadd.f32 v9, v8;
	v9 =	vmul.f32 v11, v10;
	v10 =	vor.u32 s0, v5  }
0x7b: {  	v11 =	vmov s14  }
0x7c: {  	v8 =	vadd.f32 v9, v8;
	_ =	sdelay $0x1  }
0x7d: {  	s1 =	simm.s32 $0x1;
	[tilespmem:$0x1C3D0] =	vst v8  }
0x7e: {  	s18 =	simm.s32 $0x41;
	v13 =	vor.u32 s1, v5;
	v12 =	vld.idx.msk [tilespmem:v10+s15+$0x0], $0xffff  }
0x7f: {  	v9 =	vld.idx.msk [tilespmem:v11+s16+$0x0], $0xffff;
	v11 =	vmov s18;
	_ =	sdelay $0x3  }
0x80: {  	s0 =	simm.s32 $0x2;
	v8 =	vimm.f32 $0.0e+00;
	v10 =	vld.idx.msk [tilespmem:v13+s15+$0x0], $0xffff  }
.LBB2_12:
0x81: {  	v13 =	vor.u32 s0, v5;
	s1 =	sadd.s32 $0x40, s0;
	p1 =	sne.s32 s0, $0x3F;
	s0 =	sadd.s32 $0x1, s0;
	v12 =	vmul.f32 v9, v12;
	v9 =	vld.idx.msk [tilespmem:v11+s16+$0x0], $0xffff  }
.Ltmp7:
0x82: {  	v11 =	vmov s1;
	(pc) =	sbr.rel @p1 .LBB2_12-.Ltmp7, $2  }
0x83: {  	v8 =	vadd.f32 v12, v8;
	_ =	sdelay $0x2  }
0x84: {  	v12 =	vmov v10;
	v10 =	vld.idx.msk [tilespmem:v13+s15+$0x0], $0xffff  }
0x85: {  	_ =	sdelay $0x3  }
0x86: {  	v11 =	vld.idx.msk [tilespmem:v11+s16+$0x0], $0xffff;
	_ =	sdelay $0x2  }
0x87: {  	v9 =	vmul.f32 v9, v12  }
0x88: {  	s0 =	simm.s32 $0x0  }
0x89: {  	s14 =	simm.s32 $0x40;
	v8 =	vadd.f32 v9, v8;
	v9 =	vmul.f32 v11, v10;
	v10 =	vor.u32 s0, v6  }
0x8a: {  	v11 =	vmov s14  }
0x8b: {  	v8 =	vadd.f32 v9, v8;
	_ =	sdelay $0x1  }
0x8c: {  	s1 =	simm.s32 $0x1;
	[tilespmem:$0x1C3E0] =	vst v8  }
0x8d: {  	s18 =	simm.s32 $0x41;
	v13 =	vor.u32 s1, v6;
	v12 =	vld.idx.msk [tilespmem:v10+s15+$0x0], $0xffff  }
0x8e: {  	v9 =	vld.idx.msk [tilespmem:v11+s16+$0x0], $0xffff;
	v11 =	vmov s18;
	_ =	sdelay $0x3  }
0x8f: {  	s0 =	simm.s32 $0x2;
	v8 =	vimm.f32 $0.0e+00;
	v10 =	vld.idx.msk [tilespmem:v13+s15+$0x0], $0xffff  }
.LBB2_14:
0x90: {  	v13 =	vor.u32 s0, v6;
	s1 =	sadd.s32 $0x40, s0;
	p1 =	sne.s32 s0, $0x3F;
	s0 =	sadd.s32 $0x1, s0;
	v12 =	vmul.f32 v9, v12;
	v9 =	vld.idx.msk [tilespmem:v11+s16+$0x0], $0xffff  }
.Ltmp8:
0x91: {  	v11 =	vmov s1;
	(pc) =	sbr.rel @p1 .LBB2_14-.Ltmp8, $2  }
0x92: {  	v8 =	vadd.f32 v12, v8;
	_ =	sdelay $0x2  }
0x93: {  	v12 =	vmov v10;
	v10 =	vld.idx.msk [tilespmem:v13+s15+$0x0], $0xffff  }
0x94: {  	_ =	sdelay $0x3  }
0x95: {  	v11 =	vld.idx.msk [tilespmem:v11+s16+$0x0], $0xffff;
	_ =	sdelay $0x2  }
0x96: {  	v9 =	vmul.f32 v9, v12;
	_ =	sdelay $0x1  }
0x97: {  	v8 =	vadd.f32 v9, v8;
	v9 =	vmul.f32 v11, v10;
	_ =	sdelay $0x1  }
0x98: {  	v8 =	vadd.f32 v9, v8;
	_ =	sdelay $0x1  }
0x99: {  	[tilespmem:$0x1C3F0] =	vst v8  }
0x9a: {  	s3 =	simm.s32 $0x0;
	s0 =	simm.s32 $0x1A800;
	v8 =	vld.idx.msk [tilespmem:v7+s16+$0x0], $0xffff;
	[bflag:$0x0] =	sbarrier.arrive $0xFFFF  }
0x9b: {  	[tilespmem:s0], [sflag:$0x1] =	stream.indirect.gather [spmem:s4], $0x1, s3, s17, $0xb8;
	[tilespmem:$0x1C480] =	vst v63  }
0x9c: {  	_ = 	snop  }
0x9d: {  	[tilespmem:s19], [sflag:$0x2] =	stream.indirect.gather [spmem:s4], $0x1, s17, s17, $0xb8;
	[tilespmem:$0x1C480] =	vst v63  }
0x9e: {  	_ = 	snop  }
0x9f: {  	[tilespmem:s21], [sflag:$0x3] =	stream.indirect.gather [spmem:s4], $0x1, s20, s17, $0xb8;
	[tilespmem:$0x1C480] =	vst v63  }
0xa0: {  	s0 =	simm.s32 $0x0  }
0xa1: {  	v8 =	vnsel vm0, $0x0, v8;
	[tilespmem:s23], [sflag:$0x4] =	stream.indirect.gather [spmem:s4], $0x1, s22, s17, $0xb8;
	[tilespmem:$0x1C480] =	vst v63  }
.LBB2_16:
0xa2: {  	_ =	swait.ge [sflag:s24], $0x70  }
0xa3: {  	[sflag:s24] =	ssyncset.done $0x0  }
0xa4: {  	s1 =	sshra.s32 s0, $0x2;
	[sflag:s24] =	ssyncadd.s32 $0xFFFFFF90  }
0xa5: {  	v9 =	vld [tilespmem:s1+$0x7000]  }
0xa6: {  	v10 =	vld [tilespmem:s1+$0x7010]  }
0xa7: {  	v11 =	vld [tilespmem:s1+$0x3800]  }
0xa8: {  	v12 =	vld [tilespmem:s1+$0x7020]  }
0xa9: {  	v13 =	vld [tilespmem:$0x1A800]  }
0xaa: {  	v14 =	vld [tilespmem:s1+$0x3810]  }
0xab: {  	v15 =	vld [tilespmem:s1+$0x7030]  }
0xac: {  	v16 =	vld [tilespmem:$0x1A810]  }
0xad: {  	v17 =	vld [tilespmem:s1+$0x3820]  }
0xae: {  	v18 =	vld [tilespmem:s1+$0x7040]  }
0xaf: {  	v19 =	vld [tilespmem:$0x1A820]  }
0xb0: {  	v20 =	vld [tilespmem:s1+$0x3830]  }
0xb1: {  	v21 =	vld [tilespmem:s1+$0x7050]  }
0xb2: {  	v22 =	vld [tilespmem:$0x1A830]  }
0xb3: {  	v23 =	vld [tilespmem:s1+$0x7060]  }
0xb4: {  	v9 =	vld.idx.msk [tilespmem:v9+s25+$0x0], $0xffff  }
0xb5: {  	v10 =	vld.idx.msk [tilespmem:v10+s25+$0x0], $0xffff  }
0xb6: {  	v24 =	vld [tilespmem:s1+$0x3840]  }
0xb7: {  	v49 =	vld [tilespmem:$0x1A840]  }
0xb8: {  	v12 =	vld.idx.msk [tilespmem:v12+s25+$0x0], $0xffff  }
0xb9: {  	v50 =	vld [tilespmem:s1+$0x3850];
	v9 =	vmul.f32 v9, v11;
	v11 =	vmul.f32 v13, v11  }
0xba: {  	v15 =	vld.idx.msk [tilespmem:v15+s25+$0x0], $0xffff;
	v10 =	vmul.f32 v10, v14  }
0xbb: {  	v53 =	vld [tilespmem:$0x1A850];
	v14 =	vmul.f32 v16, v14;
	v9 =	vadd.f32 v9, v8;
	v11 =	vadd.f32 $0.0e+00, v11  }
0xbc: {  	v52 =	vmul.f32 v19, v17;
	v48 =	vld.idx.msk [tilespmem:v18+s25+$0x0], $0xffff  }
0xbd: {  	v54 =	vld [tilespmem:s1+$0x3860];
	v9 =	vadd.f32 v10, v9;
	v10 =	vmul.f32 v12, v17;
	v11 =	vadd.f32 v14, v11  }
0xbe: {  	v55 =	vmul.f32 v22, v20;
	v51 =	vld.idx.msk [tilespmem:v21+s25+$0x0], $0xffff  }
0xbf: {  	v57 =	vld [tilespmem:$0x1A860];
	v9 =	vadd.f32 v10, v9;
	v10 =	vmul.f32 v15, v20;
	v11 =	vadd.f32 v52, v11  }
0xc0: {  	v58 =	vmul.f32 v49, v24;
	v56 =	vld.idx.msk [tilespmem:v23+s25+$0x0], $0xffff  }
0xc1: {  	v9 =	vadd.f32 v10, v9;
	v10 =	vmul.f32 v48, v24;
	v11 =	vadd.f32 v55, v11  }
0xc2: {  	v59 =	vmul.f32 v53, v50  }
0xc3: {  	v9 =	vadd.f32 v10, v9;
	v10 =	vmul.f32 v51, v50;
	v11 =	vadd.f32 v58, v11  }
0xc4: {  	v60 =	vmul.f32 v57, v54  }
0xc5: {  	v9 =	vadd.f32 v10, v9;
	v10 =	vadd.f32 v59, v11;
	v11 =	vmul.f32 v56, v54;
	_ =	sdelay $0x1  }
0xc6: {  	v9 =	vadd.f32 v11, v9;
	v10 =	vadd.f32 v60, v10;
	_ =	sdelay $0x1  }
0xc7: {  	v9 =	vadd.f32 v10, v9;
	_ =	sdelay $0x1  }
0xc8: {  	(xrf2) =	vadd.scan.msk.f32 $0xffff, v9;
	_ =	sdelay $0x4  }
0xc9: {  	v9 =	vmov s3  }
0xca: {  	v9 =	vand.u32 $0xFFFFFFFC, v9  }
0xcb: {  	v9 =	vbroadcast v9, $0x0;
	_ =	sdelay $0x2  }
0xcc: {  	v10, _, _ =	vpop (xrf2)  }
0xcd: {  	p1 =	seq.s32 s0, $0xD900;
	v10 =	vbroadcast v10, $0xF  }
0xce: {  	s2 =	sshra.s32 @!p1 s0, $0x2  }
0xcf: {  	s13 =	simm.s32 @!p1 $0x70;
	s18 =	simm.s32 @!p1 $0x1A800;
	s14 =	sadd.s32 @!p1 $0x1C0, s2;
	[tilespmem:v9+s26+$0x0] =	vst.idx.msk $0x1, v10  }
0xd0: {  	[tilespmem:s18], [sflag:$0x1] =	stream.indirect.gather @!p1 [spmem:s4], $0x1, s14, s13, $0xb8;
	[tilespmem:$0x1C480] =	vst v63  }
0xd1: {  	_ =	swait.ge [sflag:s28], $0x70  }
0xd2: {  	[sflag:s28] =	ssyncset.done $0x0  }
0xd3: {  	[sflag:s28] =	ssyncadd.s32 $0xFFFFFF90  }
0xd4: {  	v9 =	vld [tilespmem:s1+$0x7070]  }
0xd5: {  	v10 =	vld [tilespmem:s1+$0x7080]  }
0xd6: {  	v11 =	vld [tilespmem:s1+$0x3870]  }
0xd7: {  	v61 =	vld [tilespmem:s1+$0x7090]  }
0xd8: {  	v62 =	vld [tilespmem:$0x1A870]  }
0xd9: {  	v63 =	vld [tilespmem:s1+$0x3880]  }
0xda: {  	v28 =	vld [tilespmem:s1+$0x70A0]  }
0xdb: {  	v29 =	vld [tilespmem:$0x1A880]  }
0xdc: {  	v30 =	vld [tilespmem:s1+$0x3890]  }
0xdd: {  	v31 =	vld [tilespmem:s1+$0x70B0]  }
0xde: {  	v32 =	vld [tilespmem:$0x1A890]  }
0xdf: {  	v33 =	vld [tilespmem:s1+$0x38A0]  }
0xe0: {  	v34 =	vld [tilespmem:s1+$0x70C0]  }
0xe1: {  	v35 =	vld [tilespmem:$0x1A8A0]  }
0xe2: {  	v36 =	vld [tilespmem:s1+$0x70D0]  }
0xe3: {  	v9 =	vld.idx.msk [tilespmem:v9+s25+$0x0], $0xffff  }
0xe4: {  	v37 =	vld [tilespmem:s1+$0x38B0]  }
0xe5: {  	v10 =	vld.idx.msk [tilespmem:v10+s25+$0x0], $0xffff  }
0xe6: {  	v39 =	vld [tilespmem:$0x1A8B0]  }
0xe7: {  	v12 =	vld.idx.msk [tilespmem:v61+s25+$0x0], $0xffff  }
0xe8: {  	v40 =	vld [tilespmem:s1+$0x38C0];
	v9 =	vmul.f32 v9, v11;
	v11 =	vmul.f32 v62, v11  }
0xe9: {  	v14 =	vmul.f32 v29, v63;
	v15 =	vld.idx.msk [tilespmem:v28+s25+$0x0], $0xffff  }
0xea: {  	v43 =	vld [tilespmem:$0x1A8C0];
	v10 =	vmul.f32 v10, v63;
	v9 =	vadd.f32 v9, v8;
	v11 =	vadd.f32 $0.0e+00, v11  }
0xeb: {  	v42 =	vmul.f32 v32, v30;
	v38 =	vld.idx.msk [tilespmem:v31+s25+$0x0], $0xffff  }
0xec: {  	v44 =	vld [tilespmem:s1+$0x38D0];
	v9 =	vadd.f32 v10, v9;
	v10 =	vmul.f32 v12, v30;
	v11 =	vadd.f32 v14, v11  }
0xed: {  	v45 =	vmul.f32 v35, v33;
	v41 =	vld.idx.msk [tilespmem:v34+s25+$0x0], $0xffff  }
0xee: {  	v47 =	vld [tilespmem:$0x1A8D0];
	v9 =	vadd.f32 v10, v9;
	v10 =	vmul.f32 v15, v33;
	v11 =	vadd.f32 v42, v11  }
0xef: {  	v48 =	vmul.f32 v39, v37;
	v46 =	vld.idx.msk [tilespmem:v36+s25+$0x0], $0xffff  }
0xf0: {  	v9 =	vadd.f32 v10, v9;
	v10 =	vmul.f32 v38, v37;
	v11 =	vadd.f32 v45, v11  }
0xf1: {  	v49 =	vmul.f32 v43, v40  }
0xf2: {  	v9 =	vadd.f32 v10, v9;
	v10 =	vmul.f32 v41, v40;
	v11 =	vadd.f32 v48, v11  }
0xf3: {  	v50 =	vmul.f32 v47, v44  }
0xf4: {  	v9 =	vadd.f32 v10, v9;
	v10 =	vadd.f32 v49, v11;
	v11 =	vmul.f32 v46, v44;
	_ =	sdelay $0x1  }
0xf5: {  	v9 =	vadd.f32 v11, v9;
	v10 =	vadd.f32 v50, v10;
	_ =	sdelay $0x1  }
0xf6: {  	v9 =	vadd.f32 v10, v9;
	_ =	sdelay $0x1  }
0xf7: {  	(xrf2) =	vadd.scan.msk.f32 $0xffff, v9;
	_ =	sdelay $0x3  }
0xf8: {  	s18 =	sadd.s32 $0x1, s3  }
0xf9: {  	v9 =	vmov s18  }
0xfa: {  	v9 =	vand.u32 $0xFFFFFFFD, v9  }
0xfb: {  	v9 =	vbroadcast v9, $0x0;
	_ =	sdelay $0x2  }
0xfc: {  	v10, _, _ =	vpop (xrf2)  }
0xfd: {  	v10 =	vbroadcast v10, $0xF;
	_ =	sdelay $0x1  }
0xfe: {  	s14 =	sadd.s32 @!p1 $0x230, s2;
	s18 =	simm.s32 @!p1 $0x1A870;
	[tilespmem:v9+s26+$0x0] =	vst.idx.msk $0x1, v10  }
0xff: {  	[tilespmem:s18], [sflag:$0x2] =	stream.indirect.gather @!p1 [spmem:s4], $0x1, s14, s13, $0xb8;
	[tilespmem:$0x1C480] =	vst v63  }
0x100: {  	_ =	swait.ge [sflag:s29], $0x70  }
0x101: {  	[sflag:s29] =	ssyncset.done $0x0  }
0x102: {  	[sflag:s29] =	ssyncadd.s32 $0xFFFFFF90  }
0x103: {  	v9 =	vld [tilespmem:s1+$0x70E0]  }
0x104: {  	v10 =	vld [tilespmem:s1+$0x70F0]  }
0x105: {  	v11 =	vld [tilespmem:s1+$0x38E0]  }
0x106: {  	v51 =	vld [tilespmem:s1+$0x7100]  }
0x107: {  	v52 =	vld [tilespmem:$0x1A8E0]  }
0x108: {  	v53 =	vld [tilespmem:s1+$0x38F0]  }
0x109: {  	v54 =	vld [tilespmem:s1+$0x7110]  }
0x10a: {  	v55 =	vld [tilespmem:$0x1A8F0]  }
0x10b: {  	v56 =	vld [tilespmem:s1+$0x3900]  }
0x10c: {  	v57 =	vld [tilespmem:s1+$0x7120]  }
0x10d: {  	v58 =	vld [tilespmem:$0x1A900]  }
0x10e: {  	v59 =	vld [tilespmem:s1+$0x3910]  }
0x10f: {  	v60 =	vld [tilespmem:s1+$0x7130]  }
0x110: {  	v61 =	vld [tilespmem:$0x1A910]  }
0x111: {  	v62 =	vld [tilespmem:s1+$0x7140]  }
0x112: {  	v9 =	vld.idx.msk [tilespmem:v9+s25+$0x0], $0xffff  }
0x113: {  	v63 =	vld [tilespmem:s1+$0x3920]  }
0x114: {  	v10 =	vld.idx.msk [tilespmem:v10+s25+$0x0], $0xffff  }
0x115: {  	v26 =	vld [tilespmem:$0x1A920]  }
0x116: {  	v12 =	vld.idx.msk [tilespmem:v51+s25+$0x0], $0xffff  }
0x117: {  	v27 =	vld [tilespmem:s1+$0x3930];
	v9 =	vmul.f32 v9, v11;
	v11 =	vmul.f32 v52, v11  }
0x118: {  	v14 =	vmul.f32 v55, v53;
	v15 =	vld.idx.msk [tilespmem:v54+s25+$0x0], $0xffff  }
0x119: {  	v30 =	vld [tilespmem:$0x1A930];
	v10 =	vmul.f32 v10, v53;
	v9 =	vadd.f32 v9, v8;
	v11 =	vadd.f32 $0.0e+00, v11  }
0x11a: {  	v29 =	vmul.f32 v58, v56;
	v25 =	vld.idx.msk [tilespmem:v57+s25+$0x0], $0xffff  }
0x11b: {  	v31 =	vld [tilespmem:s1+$0x3940];
	v9 =	vadd.f32 v10, v9;
	v10 =	vmul.f32 v12, v56;
	v11 =	vadd.f32 v14, v11  }
0x11c: {  	v32 =	vmul.f32 v61, v59;
	v28 =	vld.idx.msk [tilespmem:v60+s25+$0x0], $0xffff  }
0x11d: {  	v34 =	vld [tilespmem:$0x1A940];
	v9 =	vadd.f32 v10, v9;
	v10 =	vmul.f32 v15, v59;
	v11 =	vadd.f32 v29, v11  }
0x11e: {  	v35 =	vmul.f32 v26, v63;
	v33 =	vld.idx.msk [tilespmem:v62+s25+$0x0], $0xffff  }
0x11f: {  	v9 =	vadd.f32 v10, v9;
	v10 =	vmul.f32 v25, v63;
	v11 =	vadd.f32 v32, v11  }
0x120: {  	v36 =	vmul.f32 v30, v27  }
0x121: {  	v9 =	vadd.f32 v10, v9;
	v10 =	vmul.f32 v28, v27;
	v11 =	vadd.f32 v35, v11  }
0x122: {  	v37 =	vmul.f32 v34, v31  }
0x123: {  	v9 =	vadd.f32 v10, v9;
	v10 =	vadd.f32 v36, v11;
	v11 =	vmul.f32 v33, v31;
	_ =	sdelay $0x1  }
0x124: {  	v9 =	vadd.f32 v11, v9;
	v10 =	vadd.f32 v37, v10;
	_ =	sdelay $0x1  }
0x125: {  	v9 =	vadd.f32 v10, v9;
	_ =	sdelay $0x1  }
0x126: {  	(xrf2) =	vadd.scan.msk.f32 $0xffff, v9;
	_ =	sdelay $0x3  }
0x127: {  	s18 =	sadd.s32 $0x2, s3  }
0x128: {  	v9 =	vmov s18  }
0x129: {  	v9 =	vand.u32 $0xFFFFFFFE, v9  }
0x12a: {  	v9 =	vbroadcast v9, $0x0;
	_ =	sdelay $0x2  }
0x12b: {  	v10, _, _ =	vpop (xrf2)  }
0x12c: {  	v10 =	vbroadcast v10, $0xF;
	_ =	sdelay $0x1  }
0x12d: {  	s2 =	sadd.s32 @!p1 $0x2A0, s2;
	s14 =	simm.s32 @!p1 $0x1A8E0;
	[tilespmem:v9+s26+$0x0] =	vst.idx.msk $0x1, v10  }
0x12e: {  	[tilespmem:s14], [sflag:$0x3] =	stream.indirect.gather @!p1 [spmem:s4], $0x1, s2, s13, $0xb8;
	[tilespmem:$0x1C480] =	vst v63  }
0x12f: {  	_ =	swait.ge [sflag:s30], $0x70  }
0x130: {  	[sflag:s30] =	ssyncset.done $0x0  }
0x131: {  	[sflag:s30] =	ssyncadd.s32 $0xFFFFFF90  }
0x132: {  	v9 =	vld [tilespmem:s1+$0x7150]  }
0x133: {  	v10 =	vld [tilespmem:s1+$0x7160]  }
0x134: {  	v11 =	vld [tilespmem:s1+$0x3950]  }
0x135: {  	v38 =	vld [tilespmem:s1+$0x7170]  }
0x136: {  	v39 =	vld [tilespmem:$0x1A950]  }
0x137: {  	v40 =	vld [tilespmem:s1+$0x3960]  }
0x138: {  	v41 =	vld [tilespmem:s1+$0x7180]  }
0x139: {  	v42 =	vld [tilespmem:$0x1A960]  }
0x13a: {  	v43 =	vld [tilespmem:s1+$0x3970]  }
0x13b: {  	v44 =	vld [tilespmem:s1+$0x7190]  }
0x13c: {  	v45 =	vld [tilespmem:$0x1A970]  }
0x13d: {  	v46 =	vld [tilespmem:s1+$0x3980]  }
0x13e: {  	v47 =	vld [tilespmem:s1+$0x71A0]  }
0x13f: {  	v48 =	vld [tilespmem:$0x1A980]  }
0x140: {  	v49 =	vld [tilespmem:s1+$0x71B0]  }
0x141: {  	v9 =	vld.idx.msk [tilespmem:v9+s25+$0x0], $0xffff  }
0x142: {  	v50 =	vld [tilespmem:s1+$0x3990]  }
0x143: {  	v10 =	vld.idx.msk [tilespmem:v10+s25+$0x0], $0xffff  }
0x144: {  	v52 =	vld [tilespmem:$0x1A990]  }
0x145: {  	v12 =	vld.idx.msk [tilespmem:v38+s25+$0x0], $0xffff  }
0x146: {  	v53 =	vld [tilespmem:s1+$0x39A0];
	v9 =	vmul.f32 v9, v11;
	v11 =	vmul.f32 v39, v11  }
0x147: {  	v14 =	vmul.f32 v42, v40;
	v15 =	vld.idx.msk [tilespmem:v41+s25+$0x0], $0xffff  }
0x148: {  	v56 =	vld [tilespmem:$0x1A9A0];
	v10 =	vmul.f32 v10, v40;
	v9 =	vadd.f32 v9, v8;
	v11 =	vadd.f32 $0.0e+00, v11  }
0x149: {  	v55 =	vmul.f32 v45, v43;
	v51 =	vld.idx.msk [tilespmem:v44+s25+$0x0], $0xffff  }
0x14a: {  	v57 =	vld [tilespmem:s1+$0x39B0];
	v9 =	vadd.f32 v10, v9;
	v10 =	vmul.f32 v12, v43;
	v11 =	vadd.f32 v14, v11  }
0x14b: {  	v58 =	vmul.f32 v48, v46;
	v54 =	vld.idx.msk [tilespmem:v47+s25+$0x0], $0xffff  }
0x14c: {  	v60 =	vld [tilespmem:$0x1A9B0];
	v9 =	vadd.f32 v10, v9;
	v10 =	vmul.f32 v15, v46;
	v11 =	vadd.f32 v55, v11  }
0x14d: {  	v61 =	vmul.f32 v52, v50;
	v59 =	vld.idx.msk [tilespmem:v49+s25+$0x0], $0xffff  }
0x14e: {  	v9 =	vadd.f32 v10, v9;
	v10 =	vmul.f32 v51, v50;
	v11 =	vadd.f32 v58, v11  }
0x14f: {  	v62 =	vmul.f32 v56, v53  }
0x150: {  	v9 =	vadd.f32 v10, v9;
	v10 =	vmul.f32 v54, v53;
	v11 =	vadd.f32 v61, v11  }
0x151: {  	v63 =	vmul.f32 v60, v57  }
0x152: {  	v9 =	vadd.f32 v10, v9;
	v10 =	vadd.f32 v62, v11;
	v11 =	vmul.f32 v59, v57;
	_ =	sdelay $0x1  }
0x153: {  	v9 =	vadd.f32 v11, v9;
	v10 =	vadd.f32 v63, v10;
	_ =	sdelay $0x1  }
0x154: {  	v9 =	vadd.f32 v10, v9;
	_ =	sdelay $0x1  }
0x155: {  	(xrf2) =	vadd.scan.msk.f32 $0xffff, v9;
	_ =	sdelay $0x6  }
0x156: {  	s18 =	sadd.s32 $0x3, s3  }
0x157: {  	v9 =	vmov s18  }
.Ltmp9:
0x158: {  	_ = 	snop;
	(pc) =	sbr.rel @p1 .LBB2_18-.Ltmp9, $3  }
0x159: {  	v10, _, _ =	vpop (xrf2)  }
0x15a: {  	v10 =	vbroadcast v10, $0xF;
	_ =	sdelay $0x1  }
0x15b: {  	[tilespmem:v9+s26+$0x0] =	vst.idx.msk $0x1, v10  }
.Ltmp10:
0x15c: {  	(pc) =	sbr.rel .LBB2_16-.Ltmp10, $3  }
0x15d: {  	_ =	sdelay $0x1  }
0x15e: {  	s1 =	sadd.s32 $0x310, s1;
	s0 =	sadd.s32 $0x700, s0;
	s3 =	sadd.s32 $0x4, s3  }
0x15f: {  	[tilespmem:s23], [sflag:$0x4] =	stream.indirect.gather [spmem:s4], $0x1, s1, s17, $0xb8;
	[tilespmem:$0x1C480] =	vst v63  }
.LBB2_19:
0x160: {  	_ =	sfence.sel $0x180000  }
0x161: {  	[bflag:$0x0] =	sbarrier.arrive $0xFFFF  }
0x162: {  	_ =	strace $0x90000047  }
0x163: {  	[bflag:$0x2] =	sbarrier.arrive $0xFFFF  }
0x164: {  	s0 =	rddreg [dreg:$0x6]  }
0x165: {  	s0 =	sadd.s32 @!p0 $0x100000, s0  }
0x166: {  	[sflag:s0] =	ssyncadd.tile.s32 @!p0 $0x1;
	_ =	shalt  }
.Lfunc_end2:
_tile_overlayer_lowered:
.L_overlay_start_2:
0x167: {  	(tag) =	ssettag $0x2  }
0x168: {  	s0 =	rddreg [dreg:$0x0];
	s2 =	stileid.u32  }
0x169: {  	s1 =	rddreg [dreg:$0x1];
	p0 =	sne.s32 s2, $0x0  }
0x16a: {  	s3 =	rddreg [dreg:$0x2];
	[bflag:$0x3] =	sbarrier.arrive $0xFFFF;
	s2 =	simm.s32 @!p0 $0x1C05  }
0x16b: {  	[timem:s3], [sflag:s2] =	dma.local @!p0 [hbm:s0], s1  }
0x16c: {  	s0 =	simm.s32 @!p0 $0x5  }
0x16d: {  	_ =	swait.ge @!p0 [sflag:s0], s1  }
0x16e: {  	s1 =	ssub.s32 @!p0 $0x0, s1;
	[sflag:s0] =	ssyncset.done @!p0 $0x0  }
0x16f: {  	[sflag:s0] =	ssyncadd.s32 @!p0 s1  }
0x170: {  	[bflag:$0x3] =	sbarrier.arrive $0xFFFF  }
0x171: {  	_ =	shalt  }

</sc_bundles>
